<compile_context>
chip_gen: v7x
topology: tpu7x:2x2x1
jax: 0.10.2.dev20260603
libtpu: 0.0.44.dev20260713+nightly
codegen_flags: <defaults>
</compile_context>

<pallas_src>
import functools
import math

import numpy as np
import jax
import jax.numpy as jnp
from jax import lax
from jax.experimental import pallas as pl
from jax.experimental.pallas import tpu as pltpu
from jax.experimental.pallas import tpu_sc as plsc

MUL = 32
DIM = 4 * MUL
SQRT2 = math.sqrt(2.0)
INV_SQRT3 = 1.0 / math.sqrt(3.0)
ALPHA = 1.0 / math.sqrt(2.0 * MUL)

TE = 1280
CE = 128


def _build_consts():
    c = np.arange(32 * MUL)
    Sm = (c[:, None] // MUL == np.arange(MUL)[None, :]).astype(np.float32)
    Qm = np.zeros((3 * MUL, 3 * MUL), np.float32)
    for i in range(MUL):
        for k in range(3):
            Qm[3 * i + k, k * MUL + i] = 1.0
    Pm = np.zeros((3 * MUL, 3 * MUL), np.float32)
    for j in range(MUL):
        for k in range(3):
            Pm[k * MUL + j, 3 * j + k] = 1.0
    perm = np.concatenate(
        [p * MUL * MUL + (c % MUL) * MUL + c // MUL for p in range(4)])
    return Sm, Qm, Pm, perm

_S_NP, _Q_NP, _P_NP, _PERM_NP = _build_consts()



def _dense_body(r_ref, x_ref, sh_ref, w1_ref, w2_ref, S_ref, Q_ref,
                P_ref, o_ref):
    f32 = jnp.float32
    bf16 = jnp.bfloat16
    rb = r_ref[...].astype(bf16)
    hb = jnp.maximum(
        jnp.dot(rb, w1_ref[...], preferred_element_type=f32),
        0.0).astype(bf16)

    x = x_ref[...]
    sh = sh_ref[...]
    s = x[:, :MUL]
    xv = x[:, MUL:].astype(bf16)
    y0 = sh[:, 0:1]

    Sm = S_ref[...]
    v_all = jnp.dot(xv, Q_ref[...], preferred_element_type=f32)
    v0, v1, v2 = v_all[:, :MUL], v_all[:, MUL:2 * MUL], v_all[:, 2 * MUL:]
    dv = (v0 * sh[:, 1:2] + v1 * sh[:, 2:3] + v2 * sh[:, 3:4]) * INV_SQRT3

    def rep(z):
        return pltpu.repeat(z, MUL, axis=1)

    w2 = w2_ref[...]
    B = MUL * MUL

    def wblk(p):
        return jnp.dot(hb, w2[:, p * B:(p + 1) * B], preferred_element_type=f32)

    def contract(zrep, wp):
        return jnp.dot((zrep * wp).astype(bf16), Sm, preferred_element_type=f32)

    srep = rep(s)
    q1 = contract(srep, wblk(0))
    q2 = contract(rep(dv), wblk(1))
    q3 = contract(srep, wblk(2))
    w4 = wblk(3)
    q40 = contract(rep(v0), w4)
    q41 = contract(rep(v1), w4)
    q42 = contract(rep(v2), w4)

    out_s = ALPHA * (q1 * y0 + q2)
    val = jnp.concatenate([
        ALPHA * (q3 * sh[:, 1:2] + q40 * y0),
        ALPHA * (q3 * sh[:, 2:3] + q41 * y0),
        ALPHA * (q3 * sh[:, 3:4] + q42 * y0),
    ], axis=1).astype(bf16)
    out_vec = jnp.dot(val, P_ref[...], preferred_element_type=f32)
    o_ref[:, :MUL] = out_s
    o_ref[:, MUL:] = out_vec


def _dense_call(rp, x_e, sh, W1p, W2b, consts):
    E = rp.shape[0]
    HID = W1p.shape[1]
    Sm, Qm, Pm = consts
    grid = (E // TE,)
    return pl.pallas_call(
        _dense_body,
        grid=grid,
        in_specs=[
            pl.BlockSpec((TE, 16), lambda i: (i, 0)),
            pl.BlockSpec((TE, DIM), lambda i: (i, 0)),
            pl.BlockSpec((TE, 4), lambda i: (i, 0)),
            pl.BlockSpec((16, HID), lambda i: (0, 0)),
            pl.BlockSpec((HID, 4 * MUL * MUL), lambda i: (0, 0)),
            pl.BlockSpec((MUL * MUL, MUL), lambda i: (0, 0)),
            pl.BlockSpec((3 * MUL, 3 * MUL), lambda i: (0, 0)),
            pl.BlockSpec((3 * MUL, 3 * MUL), lambda i: (0, 0)),
        ],
        out_specs=pl.BlockSpec((TE, DIM), lambda i: (i, 0)),
        out_shape=jax.ShapeDtypeStruct((E, DIM), jnp.float32),
    )(rp, x_e, sh, W1p, W2b, Sm, Qm, Pm)



def _sc_gather(table, idx):
    E = idx.shape[0]
    n_chunks = E // CE
    mesh = plsc.VectorSubcoreMesh(core_axis_name="c", subcore_axis_name="s")
    NW = 32
    base_t, extra = divmod(n_chunks, NW)

    @functools.partial(
        pl.kernel,
        out_type=jax.ShapeDtypeStruct((E, DIM), jnp.float32),
        mesh=mesh,
        scratch_types=[
            pltpu.VMEM((2, CE), jnp.int32),
            pltpu.VMEM((2, CE, DIM), jnp.float32),
            pltpu.SemaphoreType.DMA,
            pltpu.SemaphoreType.DMA,
            pltpu.SemaphoreType.DMA,
        ],
    )
    def gather_k(table_hbm, idx_hbm, out_hbm, idx_v, rows_v, semI, semG, semO):
        wid = lax.axis_index("s") * 2 + lax.axis_index("c")
        n_t = base_t + jnp.where(wid < extra, 1, 0)

        def off(t):
            return (wid + NW * t) * CE

        pltpu.async_copy(idx_hbm.at[pl.ds(off(0), CE)], idx_v.at[0], semI)

        def body(t, carry):
            b = lax.rem(t, 2)
            pltpu.make_async_copy(idx_hbm.at[pl.ds(off(t), CE)],
                                  idx_v.at[b], semI).wait()

            @pl.when(t + 1 < n_t)
            def _():
                pltpu.async_copy(idx_hbm.at[pl.ds(off(t + 1), CE)],
                                 idx_v.at[1 - b], semI)

            @pl.when(t >= 2)
            def _():
                pltpu.make_async_copy(rows_v.at[b],
                                      out_hbm.at[pl.ds(off(t - 2), CE)],
                                      semO).wait()

            pltpu.async_copy(table_hbm.at[idx_v.at[b]], rows_v.at[b],
                             semG).wait()
            pltpu.async_copy(rows_v.at[b], out_hbm.at[pl.ds(off(t), CE)], semO)
            return carry

        lax.fori_loop(0, n_t, body, 0)
        b2 = lax.rem(n_t, 2)
        pltpu.make_async_copy(rows_v.at[b2],
                              out_hbm.at[pl.ds(off(n_t - 2), CE)], semO).wait()
        pltpu.make_async_copy(rows_v.at[1 - b2],
                              out_hbm.at[pl.ds(off(n_t - 1), CE)], semO).wait()

    return gather_k(table, idx)



def _sc_scatter(tp, dst, zeros_nd):
    E = tp.shape[0]
    N = zeros_nd.shape[0]
    n_chunks = E // CE
    mesh = plsc.VectorSubcoreMesh(core_axis_name="c", subcore_axis_name="s")
    NW = 32
    NS = 16
    base_t, extra = divmod(n_chunks, NW)
    CR = 16
    base_u, extra_u = divmod(N // CR, NS)

    @functools.partial(
        pl.kernel,
        out_type=jax.ShapeDtypeStruct((2, N, DIM), jnp.float32),
        mesh=mesh,
        scratch_types=[
            pltpu.VMEM((2, CE), jnp.int32),
            pltpu.VMEM((2, CE, DIM), jnp.float32),
            pltpu.VMEM_SHARED((N, DIM), jnp.float32),
            pltpu.SemaphoreType.DMA,
            pltpu.SemaphoreType.DMA,
            pltpu.SemaphoreType.DMA,
        ],
    )
    def scatter_k(tp_hbm, dst_hbm, zeros_hbm, out_hbm, idx_v, rows_v, acc_sh,
                  semI, semT, semA):
        cid = lax.axis_index("c")
        sid = lax.axis_index("s")
        wid = sid * 2 + cid

        @pl.when(sid == 0)
        def _():
            pltpu.sync_copy(zeros_hbm, acc_sh)

        plsc.subcore_barrier()

        n_t = base_t + jnp.where(wid < extra, 1, 0)

        def off(t):
            return (wid + NW * t) * CE

        pltpu.async_copy(dst_hbm.at[pl.ds(off(0), CE)], idx_v.at[0], semI)
        pltpu.async_copy(tp_hbm.at[pl.ds(off(0), CE)], rows_v.at[0], semT)

        def body(t, carry):
            b = lax.rem(t, 2)
            pltpu.make_async_copy(dst_hbm.at[pl.ds(off(t), CE)],
                                  idx_v.at[b], semI).wait()
            pltpu.make_async_copy(tp_hbm.at[pl.ds(off(t), CE)],
                                  rows_v.at[b], semT).wait()

            @pl.when(t + 1 < n_t)
            def _():
                pltpu.async_copy(dst_hbm.at[pl.ds(off(t + 1), CE)],
                                 idx_v.at[1 - b], semI)
                pltpu.async_copy(tp_hbm.at[pl.ds(off(t + 1), CE)],
                                 rows_v.at[1 - b], semT)

            pltpu.async_copy(rows_v.at[b], acc_sh.at[idx_v.at[b]], semA,
                             add=True).wait()
            return carry

        lax.fori_loop(0, n_t, body, 0)
        plsc.subcore_barrier()

        n_u = base_u + jnp.where(sid < extra_u, 1, 0)

        def cbody(u, carry):
            roff = (sid + NS * u) * CR
            pltpu.async_copy(acc_sh.at[pl.ds(roff, CR)],
                             out_hbm.at[cid, pl.ds(roff, CR)], semT)
            return carry

        lax.fori_loop(0, n_u, cbody, 0)

        def dbody(u, carry):
            roff = (sid + NS * u) * CR
            pltpu.make_async_copy(acc_sh.at[pl.ds(roff, CR)],
                                  out_hbm.at[cid, pl.ds(roff, CR)],
                                  semT).wait()
            return carry

        lax.fori_loop(0, n_u, dbody, 0)

    return scatter_k(tp, dst, zeros_nd)



def _combine_body(p_ref, s_ref, o_ref):
    o_ref[...] = (p_ref[0] + p_ref[1]) / s_ref[0, 0]


def _combine(partials, sq):
    N = partials.shape[1]
    BN = 1000
    return pl.pallas_call(
        _combine_body,
        grid=(N // BN,),
        in_specs=[
            pl.BlockSpec((2, BN, DIM), lambda i: (0, i, 0)),
            pl.BlockSpec(memory_space=pltpu.SMEM),
        ],
        out_specs=pl.BlockSpec((BN, DIM), lambda i: (i, 0)),
        out_shape=jax.ShapeDtypeStruct((N, DIM), jnp.float32),
    )(partials, sq)


def kernel(node_features, edge_sh_features, edge_radial_features, edge_src,
           edge_dst, n_nodes, W1, W2):
    N = node_features.shape[0]
    RAD = edge_radial_features.shape[1]
    HID = W1.shape[1]

    rp = jnp.pad(edge_radial_features, ((0, 0), (0, 16 - RAD)))
    W1p = jnp.pad(W1 * (SQRT2 / math.sqrt(float(RAD))),
                  ((0, 16 - RAD), (0, 0))).astype(jnp.bfloat16)
    W2b = ((W2 * (1.0 / math.sqrt(float(HID))))[:, _PERM_NP]
           ).astype(jnp.bfloat16)
    bf = jnp.bfloat16
    consts = (jnp.asarray(_S_NP, bf),
              jnp.asarray(_Q_NP, bf), jnp.asarray(_P_NP, bf))

    x_e = _sc_gather(node_features, edge_src)
    tp = _dense_call(rp, x_e, edge_sh_features, W1p, W2b, consts)
    partials = _sc_scatter(tp, edge_dst, jnp.zeros((N, DIM), jnp.float32))
    sq = jnp.sqrt((jnp.asarray(n_nodes) - 1).astype(jnp.float32)).reshape(1, 1)
    return _combine(partials, sq)

# --- scband reference (transcript-rebuilt; emitter-appended) ---
"""Pipeline reference for scband-so3-convolution-9775345565773 (READ-ONLY COPY).

The authoritative reference and input builder live on the scoring server;
editing this copy changes nothing except your own understanding.
"""

import jax, jax.numpy as jnp
import numpy as np

N = 10000
E = 320000
MUL = 32
RAD = 12
WNUM = 4 * MUL * MUL  # tp.weight_numel = 4096 (4 paths, uvw weights with mul_sh=1)
HID = WNUM // 2


def setup_inputs(seed: int = 0) -> dict:
    key = jax.random.key(seed)
    ks = jax.random.split(key, 8)
    node_features = jax.random.normal(ks[0], (N, 4 * MUL), dtype=jnp.float32)
    edge_sh_features = jax.random.normal(ks[1], (E, 4), dtype=jnp.float32)
    edge_radial_features = jax.random.uniform(ks[2], (E, RAD), dtype=jnp.float32)
    edge_src = jax.random.randint(ks[3], (E,), 0, N)
    edge_dst = jax.random.randint(ks[4], (E,), 0, N)
    W1 = jax.random.normal(ks[5], (RAD, HID), dtype=jnp.float32)
    W2 = jax.random.normal(ks[6], (HID, WNUM), dtype=jnp.float32)
    return {
        "node_features": node_features,
        "edge_sh_features": edge_sh_features,
        "edge_radial_features": edge_radial_features,
        "edge_src": edge_src,
        "edge_dst": edge_dst,
        "n_nodes": N,
        "W1": W1,
        "W2": W2,
    }


def _filter_network(r, W1, W2):
    # e3nn FullyConnectedNet [12, WNUM//2, WNUM] with relu:
    # per-layer weight normalization 1/sqrt(fan_in), activation normalized to unit 2nd moment (relu -> *sqrt(2))
    h = jax.nn.relu(r @ (W1 / jnp.sqrt(float(RAD)))) * jnp.sqrt(2.0)
    return h @ (W2 / jnp.sqrt(float(HID)))


def _tensor_product(x_e, sh, w):
    # FullyConnectedTensorProduct((32x0e+32x1o) x (1x0e+1x1o) -> (32x0e+32x1o)), shared_weights=False
    # 4 paths: 0e*0e->0e, 1o*1o->0e, 0e*1o->1o, 1o*0e->1o; each path has 32*1*32=1024 weights
    s = x_e[:, :MUL]                         # [E, 32] scalars
    v = x_e[:, MUL:].reshape(-1, MUL, 3)     # [E, 32, 3] vectors
    y0 = sh[:, 0]                            # [E]
    y1 = sh[:, 1:4]                          # [E, 3]
    w1 = w[:, 0 * MUL * MUL:1 * MUL * MUL].reshape(-1, MUL, MUL)
    w2 = w[:, 1 * MUL * MUL:2 * MUL * MUL].reshape(-1, MUL, MUL)
    w3 = w[:, 2 * MUL * MUL:3 * MUL * MUL].reshape(-1, MUL, MUL)
    w4 = w[:, 3 * MUL * MUL:4 * MUL * MUL].reshape(-1, MUL, MUL)
    # path normalization: each output irrep has 2 incoming paths of fan mul_in*mul_sh=32
    a = 1.0 / jnp.sqrt(2.0 * MUL)
    # 1o x 1o -> 0e uses CG coeff delta_k/sqrt(3)
    dv = jnp.einsum('eik,ek->ei', v, y1) / jnp.sqrt(3.0)
    out_s = a * (jnp.einsum('ei,eij->ej', s, w1) * y0[:, None]
                 + jnp.einsum('ei,eij->ej', dv, w2))
    out_v = a * (jnp.einsum('ei,eij->ej', s, w3)[:, :, None] * y1[:, None, :]
                 + jnp.einsum('eik,eij->ejk', v, w4) * y0[:, None, None])
    return jnp.concatenate([out_s, out_v.reshape(-1, 3 * MUL)], axis=1)


def reference(node_features, edge_sh_features, edge_radial_features, edge_src, edge_dst, n_nodes, W1, W2):
    w = _filter_network(edge_radial_features, W1, W2)          # [E, 4096] per-edge tp weights
    x_e = jnp.take(node_features, edge_src, axis=0)            # gather src node features
    tp = _tensor_product(x_e, edge_sh_features, w)             # [E, 128]
    n_static = node_features.shape[0]
    out = jnp.zeros((n_static, tp.shape[1]), dtype=tp.dtype).at[edge_dst].add(tp)
    return out / jnp.sqrt((jnp.asarray(n_nodes) - 1).astype(tp.dtype))

if __name__ == "__main__":
    import jax
    _d = setup_inputs()
    print(jax.jit(kernel)(*tuple(_d.values())))

</pallas_src>

<mosaic_0001>
#map = affine_map<(d0, d1) -> (0, 0)>
#map1 = affine_map<(d0, d1) -> (0)>
module attributes {stable_mosaic.version = 14 : i64} {
  func.func @gather_k(%arg0: i32, %arg1: i32, %arg2: memref<10000x128xf32, #tpu.memory_space<hbm>>, %arg3: memref<320000xi32, #tpu.memory_space<hbm>>, %arg4: memref<320000x128xf32, #tpu.memory_space<hbm>>, %arg5: memref<2x128xi32, #tpu.memory_space<vmem>>, %arg6: memref<2x128x128xf32, #tpu.memory_space<vmem>>, %arg7: memref<!tpu.dma_semaphore, #tpu.memory_space<semaphore_mem>>, %arg8: memref<!tpu.dma_semaphore, #tpu.memory_space<semaphore_mem>>, %arg9: memref<!tpu.dma_semaphore, #tpu.memory_space<semaphore_mem>>) attributes {dimension_semantics = [#tpu.dimension_semantics<core_parallel>, #tpu.dimension_semantics<subcore_parallel>], iteration_bounds = array<i64: 2, 16>, scalar_prefetch = 0 : i64, scratch_operands = 5 : i64, tpu.core_type = #tpu.core_type<sc_vector_subcore>, window_params = [{transform_indices = #map}, {transform_indices = #map1}, {transform_indices = #map}]} {
    %mul3A = arith.constant 2 : i32
    %mul3A_0 = arith.muli %arg1, %mul3A : i32
    %add3A = arith.addi %mul3A_0, %arg0 : i32
    %lt3A = arith.constant 4 : i32
    %lt3A_1 = arith.cmpi slt, %add3A, %lt3A : i32
    %jit3A = arith.constant 1 : i32
    %jit3A_2 = arith.constant 0 : i32
    %select_n3A = arith.select %lt3A_1, %jit3A, %jit3A_2 : i32
    %add3A_3 = arith.constant 78 : i32
    %add3A_4 = arith.addi %add3A_3, %select_n3A : i32
    %add3A_5 = arith.constant 0 : i32
    %add3A_6 = arith.addi %add3A, %add3A_5 : i32
    %mul3A_7 = arith.constant 128 : i32
    %mul3A_8 = arith.muli %add3A_6, %mul3A_7 : i32
    %dma_start3A = arith.constant 0 : i32
    %dma_start3A_9 = arith.constant 0 : i32
    %dma_start3A_10 = tpu.memref_slice %arg5[%dma_start3A, %dma_start3A_9] : memref<2x128xi32, #tpu.memory_space<vmem>> -> memref<1x128xi32, #tpu.memory_space<vmem>>
    %dma_start3A_11 = tpu.memref_squeeze %dma_start3A_10 : memref<1x128xi32, #tpu.memory_space<vmem>> -> memref<128xi32, #tpu.memory_space<vmem>>
    %dma_start3A_12 = tpu.memref_slice %arg3[%mul3A_8] : memref<320000xi32, #tpu.memory_space<hbm>> -> memref<128xi32, #tpu.memory_space<hbm>>
    %dma_start3A_13 = arith.constant 0 : i32
    %dma_start3A_14 = tpu.memref_slice %arg5[%dma_start3A, %dma_start3A_13] : memref<2x128xi32, #tpu.memory_space<vmem>> -> memref<1x128xi32, #tpu.memory_space<vmem>>
    %dma_start3A_15 = tpu.memref_squeeze %dma_start3A_14 : memref<1x128xi32, #tpu.memory_space<vmem>> -> memref<128xi32, #tpu.memory_space<vmem>>
    %dma_start3A_16 = tpu.memref_slice %arg3[%mul3A_8] : memref<320000xi32, #tpu.memory_space<hbm>> -> memref<128xi32, #tpu.memory_space<hbm>>
    tpu.enqueue_dma source(%dma_start3A_16 : memref<128xi32, #tpu.memory_space<hbm>>) target(%dma_start3A_15 : memref<128xi32, #tpu.memory_space<vmem>>) target_semaphore(%arg7 : memref<!tpu.dma_semaphore, #tpu.memory_space<semaphore_mem>>)
    %while3A = arith.constant 0 : i32
    %while3A_17 = arith.constant 0 : i32
    %while3A_18 = arith.subi %add3A_4, %while3A_17 : i32
    %while3A_19 = arith.addi %while3A_17, %while3A_18 : i32
    %while3A_20 = arith.constant 1 : i32
    %while3A_21 = arith.divsi %while3A_18, %while3A_20 : i32
    %while3A_22 = arith.muli %while3A_21, %while3A_20 : i32
    %while3A_23 = arith.addi %while3A_17, %while3A_22 : i32
    %while3A_24 = arith.constant 1 : i32
    scf.for %while3A_65 = %while3A_17 to %while3A_23 step %while3A_24  : i32 {
      %rem3A_66 = arith.constant 2 : i32
      %rem3A_67 = arith.remsi %while3A_65, %rem3A_66 : i32
      %mul3A_68 = arith.constant 32 : i32
      %mul3A_69 = arith.muli %mul3A_68, %while3A_65 : i32
      %add3A_70 = arith.addi %add3A, %mul3A_69 : i32
      %mul3A_71 = arith.constant 128 : i32
      %mul3A_72 = arith.muli %add3A_70, %mul3A_71 : i32
      %dma_wait3A_73 = arith.constant 0 : i32
      %dma_wait3A_74 = tpu.memref_slice %arg5[%rem3A_67, %dma_wait3A_73] : memref<2x128xi32, #tpu.memory_space<vmem>> -> memref<1x128xi32, #tpu.memory_space<vmem>>
      %dma_wait3A_75 = tpu.memref_squeeze %dma_wait3A_74 : memref<1x128xi32, #tpu.memory_space<vmem>> -> memref<128xi32, #tpu.memory_space<vmem>>
      %dma_wait3A_76 = tpu.memref_slice %arg3[%mul3A_72] : memref<320000xi32, #tpu.memory_space<hbm>> -> memref<128xi32, #tpu.memory_space<hbm>>
      %dma_wait3A_77 = arith.constant 0 : i32
      %dma_wait3A_78 = tpu.memref_slice %arg5[%rem3A_67, %dma_wait3A_77] : memref<2x128xi32, #tpu.memory_space<vmem>> -> memref<1x128xi32, #tpu.memory_space<vmem>>
      %dma_wait3A_79 = tpu.memref_squeeze %dma_wait3A_78 : memref<1x128xi32, #tpu.memory_space<vmem>> -> memref<128xi32, #tpu.memory_space<vmem>>
      %dma_wait3A_80 = tpu.memref_slice %arg3[%mul3A_72] : memref<320000xi32, #tpu.memory_space<hbm>> -> memref<128xi32, #tpu.memory_space<hbm>>
      tpu.wait_dma2 semaphore(%arg7 : memref<!tpu.dma_semaphore, #tpu.memory_space<semaphore_mem>>) src(%dma_wait3A_80 : memref<128xi32, #tpu.memory_space<hbm>>) dst(%dma_wait3A_79 : memref<128xi32, #tpu.memory_space<vmem>>)
      %add3A_81 = arith.constant 1 : i32
      %add3A_82 = arith.addi %while3A_65, %add3A_81 : i32
      %lt3A_83 = arith.cmpi slt, %add3A_82, %add3A_4 : i32
      %convert_element_type3A = arith.extui %lt3A_83 : i1 to i32
      %cond3A = arith.constant 0 : i32
      %cond3A_84 = arith.cmpi ne, %convert_element_type3A, %cond3A : i32
      scf.if %cond3A_84 {
        %add3A_126 = arith.constant 1 : i32
        %add3A_127 = arith.addi %while3A_65, %add3A_126 : i32
        %mul3A_128 = arith.constant 32 : i32
        %mul3A_129 = arith.muli %mul3A_128, %add3A_127 : i32
        %add3A_130 = arith.addi %add3A, %mul3A_129 : i32
        %mul3A_131 = arith.constant 128 : i32
        %mul3A_132 = arith.muli %add3A_130, %mul3A_131 : i32
        %sub3A_133 = arith.constant 1 : i32
        %sub3A_134 = arith.subi %sub3A_133, %rem3A_67 : i32
        %dma_start3A_135 = arith.constant 0 : i32
        %dma_start3A_136 = tpu.memref_slice %arg5[%sub3A_134, %dma_start3A_135] : memref<2x128xi32, #tpu.memory_space<vmem>> -> memref<1x128xi32, #tpu.memory_space<vmem>>
        %dma_start3A_137 = tpu.memref_squeeze %dma_start3A_136 : memref<1x128xi32, #tpu.memory_space<vmem>> -> memref<128xi32, #tpu.memory_space<vmem>>
        %dma_start3A_138 = tpu.memref_slice %arg3[%mul3A_132] : memref<320000xi32, #tpu.memory_space<hbm>> -> memref<128xi32, #tpu.memory_space<hbm>>
        %dma_start3A_139 = arith.constant 0 : i32
        %dma_start3A_140 = tpu.memref_slice %arg5[%sub3A_134, %dma_start3A_139] : memref<2x128xi32, #tpu.memory_space<vmem>> -> memref<1x128xi32, #tpu.memory_space<vmem>>
        %dma_start3A_141 = tpu.memref_squeeze %dma_start3A_140 : memref<1x128xi32, #tpu.memory_space<vmem>> -> memref<128xi32, #tpu.memory_space<vmem>>
        %dma_start3A_142 = tpu.memref_slice %arg3[%mul3A_132] : memref<320000xi32, #tpu.memory_space<hbm>> -> memref<128xi32, #tpu.memory_space<hbm>>
        tpu.enqueue_dma source(%dma_start3A_142 : memref<128xi32, #tpu.memory_space<hbm>>) target(%dma_start3A_141 : memref<128xi32, #tpu.memory_space<vmem>>) target_semaphore(%arg7 : memref<!tpu.dma_semaphore, #tpu.memory_space<semaphore_mem>>)
      } else {
      }
      %ge3A = arith.constant 2 : i32
      %ge3A_85 = arith.cmpi sge, %while3A_65, %ge3A : i32
      %convert_element_type3A_86 = arith.extui %ge3A_85 : i1 to i32
      %cond3A_87 = arith.constant 0 : i32
      %cond3A_88 = arith.cmpi ne, %convert_element_type3A_86, %cond3A_87 : i32
      scf.if %cond3A_88 {
        %sub3A_126 = arith.constant 2 : i32
        %sub3A_127 = arith.subi %while3A_65, %sub3A_126 : i32
        %mul3A_128 = arith.constant 32 : i32
        %mul3A_129 = arith.muli %mul3A_128, %sub3A_127 : i32
        %add3A_130 = arith.addi %add3A, %mul3A_129 : i32
        %mul3A_131 = arith.constant 128 : i32
        %mul3A_132 = arith.muli %add3A_130, %mul3A_131 : i32
        %dma_wait3A_133 = arith.constant 0 : i32
        %dma_wait3A_134 = arith.constant 0 : i32
        %dma_wait3A_135 = tpu.memref_slice %arg6[%rem3A_67, %dma_wait3A_133, %dma_wait3A_134] : memref<2x128x128xf32, #tpu.memory_space<vmem>> -> memref<1x128x128xf32, #tpu.memory_space<vmem>>
        %dma_wait3A_136 = tpu.memref_squeeze %dma_wait3A_135 : memref<1x128x128xf32, #tpu.memory_space<vmem>> -> memref<128x128xf32, #tpu.memory_space<vmem>>
        %dma_wait3A_137 = arith.constant 0 : i32
        %dma_wait3A_138 = tpu.memref_slice %arg4[%mul3A_132, %dma_wait3A_137] : memref<320000x128xf32, #tpu.memory_space<hbm>> -> memref<128x128xf32, #tpu.memory_space<hbm>>
        %dma_wait3A_139 = arith.constant 0 : i32
        %dma_wait3A_140 = tpu.memref_slice %arg4[%mul3A_132, %dma_wait3A_139] : memref<320000x128xf32, #tpu.memory_space<hbm>> -> memref<128x128xf32, #tpu.memory_space<hbm>>
        %dma_wait3A_141 = arith.constant 0 : i32
        %dma_wait3A_142 = arith.constant 0 : i32
        %dma_wait3A_143 = tpu.memref_slice %arg6[%rem3A_67, %dma_wait3A_141, %dma_wait3A_142] : memref<2x128x128xf32, #tpu.memory_space<vmem>> -> memref<1x128x128xf32, #tpu.memory_space<vmem>>
        %dma_wait3A_144 = tpu.memref_squeeze %dma_wait3A_143 : memref<1x128x128xf32, #tpu.memory_space<vmem>> -> memref<128x128xf32, #tpu.memory_space<vmem>>
        tpu.wait_dma2 semaphore(%arg9 : memref<!tpu.dma_semaphore, #tpu.memory_space<semaphore_mem>>) src(%dma_wait3A_144 : memref<128x128xf32, #tpu.memory_space<vmem>>) dst(%dma_wait3A_140 : memref<128x128xf32, #tpu.memory_space<hbm>>)
      } else {
      }
      %dma_start3A_89 = arith.constant 0 : i32
      %dma_start3A_90 = arith.constant 0 : i32
      %dma_start3A_91 = tpu.memref_slice %arg6[%rem3A_67, %dma_start3A_89, %dma_start3A_90] : memref<2x128x128xf32, #tpu.memory_space<vmem>> -> memref<1x128x128xf32, #tpu.memory_space<vmem>>
      %dma_start3A_92 = tpu.memref_squeeze %dma_start3A_91 : memref<1x128x128xf32, #tpu.memory_space<vmem>> -> memref<128x128xf32, #tpu.memory_space<vmem>>
      %dma_start3A_93 = arith.constant 0 : i32
      %dma_start3A_94 = tpu.memref_slice %arg5[%rem3A_67, %dma_start3A_93] : memref<2x128xi32, #tpu.memory_space<vmem>> -> memref<1x128xi32, #tpu.memory_space<vmem>>
      %dma_start3A_95 = tpu.memref_squeeze %dma_start3A_94 : memref<1x128xi32, #tpu.memory_space<vmem>> -> memref<128xi32, #tpu.memory_space<vmem>>
      %dma_start3A_96 = arith.constant 0 : i32
      %dma_start3A_97 = arith.constant 0 : i32
      %dma_start3A_98 = tpu.memref_slice %arg2[%dma_start3A_96, %dma_start3A_97] : memref<10000x128xf32, #tpu.memory_space<hbm>> -> memref<10000x128xf32, #tpu.memory_space<hbm>>
      tpu.enqueue_indirect_dma source(%dma_start3A_98 : memref<10000x128xf32, #tpu.memory_space<hbm>>) target(%dma_start3A_92 : memref<128x128xf32, #tpu.memory_space<vmem>>) offsets(%dma_start3A_95 : memref<128xi32, #tpu.memory_space<vmem>>) semaphore(%arg8 : memref<!tpu.dma_semaphore, #tpu.memory_space<semaphore_mem>>)
      %dma_wait3A_99 = arith.constant 0 : i32
      %dma_wait3A_100 = arith.constant 0 : i32
      %dma_wait3A_101 = tpu.memref_slice %arg6[%rem3A_67, %dma_wait3A_99, %dma_wait3A_100] : memref<2x128x128xf32, #tpu.memory_space<vmem>> -> memref<1x128x128xf32, #tpu.memory_space<vmem>>
      %dma_wait3A_102 = tpu.memref_squeeze %dma_wait3A_101 : memref<1x128x128xf32, #tpu.memory_space<vmem>> -> memref<128x128xf32, #tpu.memory_space<vmem>>
      %dma_wait3A_103 = arith.constant 0 : i32
      %dma_wait3A_104 = tpu.memref_slice %arg5[%rem3A_67, %dma_wait3A_103] : memref<2x128xi32, #tpu.memory_space<vmem>> -> memref<1x128xi32, #tpu.memory_space<vmem>>
      %dma_wait3A_105 = tpu.memref_squeeze %dma_wait3A_104 : memref<1x128xi32, #tpu.memory_space<vmem>> -> memref<128xi32, #tpu.memory_space<vmem>>
      %dma_wait3A_106 = arith.constant 0 : i32
      %dma_wait3A_107 = arith.constant 0 : i32
      %dma_wait3A_108 = tpu.memref_slice %arg2[%dma_wait3A_106, %dma_wait3A_107] : memref<10000x128xf32, #tpu.memory_space<hbm>> -> memref<10000x128xf32, #tpu.memory_space<hbm>>
      tpu.wait_indirect_dma semaphore(%arg8 : memref<!tpu.dma_semaphore, #tpu.memory_space<semaphore_mem>>) src(%dma_wait3A_108 : memref<10000x128xf32, #tpu.memory_space<hbm>>) dst(%dma_wait3A_102 : memref<128x128xf32, #tpu.memory_space<vmem>>)
      %mul3A_109 = arith.constant 32 : i32
      %mul3A_110 = arith.muli %mul3A_109, %while3A_65 : i32
      %add3A_111 = arith.addi %add3A, %mul3A_110 : i32
      %mul3A_112 = arith.constant 128 : i32
      %mul3A_113 = arith.muli %add3A_111, %mul3A_112 : i32
      %dma_start3A_114 = arith.constant 0 : i32
      %dma_start3A_115 = arith.constant 0 : i32
      %dma_start3A_116 = tpu.memref_slice %arg6[%rem3A_67, %dma_start3A_114, %dma_start3A_115] : memref<2x128x128xf32, #tpu.memory_space<vmem>> -> memref<1x128x128xf32, #tpu.memory_space<vmem>>
      %dma_start3A_117 = tpu.memref_squeeze %dma_start3A_116 : memref<1x128x128xf32, #tpu.memory_space<vmem>> -> memref<128x128xf32, #tpu.memory_space<vmem>>
      %dma_start3A_118 = arith.constant 0 : i32
      %dma_start3A_119 = tpu.memref_slice %arg4[%mul3A_113, %dma_start3A_118] : memref<320000x128xf32, #tpu.memory_space<hbm>> -> memref<128x128xf32, #tpu.memory_space<hbm>>
      %dma_start3A_120 = arith.constant 0 : i32
      %dma_start3A_121 = tpu.memref_slice %arg4[%mul3A_113, %dma_start3A_120] : memref<320000x128xf32, #tpu.memory_space<hbm>> -> memref<128x128xf32, #tpu.memory_space<hbm>>
      %dma_start3A_122 = arith.constant 0 : i32
      %dma_start3A_123 = arith.constant 0 : i32
      %dma_start3A_124 = tpu.memref_slice %arg6[%rem3A_67, %dma_start3A_122, %dma_start3A_123] : memref<2x128x128xf32, #tpu.memory_space<vmem>> -> memref<1x128x128xf32, #tpu.memory_space<vmem>>
      %dma_start3A_125 = tpu.memref_squeeze %dma_start3A_124 : memref<1x128x128xf32, #tpu.memory_space<vmem>> -> memref<128x128xf32, #tpu.memory_space<vmem>>
      tpu.enqueue_dma source(%dma_start3A_125 : memref<128x128xf32, #tpu.memory_space<vmem>>) target(%dma_start3A_121 : memref<128x128xf32, #tpu.memory_space<hbm>>) target_semaphore(%arg9 : memref<!tpu.dma_semaphore, #tpu.memory_space<semaphore_mem>>)
    }
    %while3A_25 = arith.constant 1 : i32
    scf.for %while3A_65 = %while3A_23 to %while3A_19 step %while3A_25  : i32 {
      %rem3A_66 = arith.constant 2 : i32
      %rem3A_67 = arith.remsi %while3A_65, %rem3A_66 : i32
      %mul3A_68 = arith.constant 32 : i32
      %mul3A_69 = arith.muli %mul3A_68, %while3A_65 : i32
      %add3A_70 = arith.addi %add3A, %mul3A_69 : i32
      %mul3A_71 = arith.constant 128 : i32
      %mul3A_72 = arith.muli %add3A_70, %mul3A_71 : i32
      %dma_wait3A_73 = arith.constant 0 : i32
      %dma_wait3A_74 = tpu.memref_slice %arg5[%rem3A_67, %dma_wait3A_73] : memref<2x128xi32, #tpu.memory_space<vmem>> -> memref<1x128xi32, #tpu.memory_space<vmem>>
      %dma_wait3A_75 = tpu.memref_squeeze %dma_wait3A_74 : memref<1x128xi32, #tpu.memory_space<vmem>> -> memref<128xi32, #tpu.memory_space<vmem>>
      %dma_wait3A_76 = tpu.memref_slice %arg3[%mul3A_72] : memref<320000xi32, #tpu.memory_space<hbm>> -> memref<128xi32, #tpu.memory_space<hbm>>
      %dma_wait3A_77 = arith.constant 0 : i32
      %dma_wait3A_78 = tpu.memref_slice %arg5[%rem3A_67, %dma_wait3A_77] : memref<2x128xi32, #tpu.memory_space<vmem>> -> memref<1x128xi32, #tpu.memory_space<vmem>>
      %dma_wait3A_79 = tpu.memref_squeeze %dma_wait3A_78 : memref<1x128xi32, #tpu.memory_space<vmem>> -> memref<128xi32, #tpu.memory_space<vmem>>
      %dma_wait3A_80 = tpu.memref_slice %arg3[%mul3A_72] : memref<320000xi32, #tpu.memory_space<hbm>> -> memref<128xi32, #tpu.memory_space<hbm>>
      tpu.wait_dma2 semaphore(%arg7 : memref<!tpu.dma_semaphore, #tpu.memory_space<semaphore_mem>>) src(%dma_wait3A_80 : memref<128xi32, #tpu.memory_space<hbm>>) dst(%dma_wait3A_79 : memref<128xi32, #tpu.memory_space<vmem>>)
      %add3A_81 = arith.constant 1 : i32
      %add3A_82 = arith.addi %while3A_65, %add3A_81 : i32
      %lt3A_83 = arith.cmpi slt, %add3A_82, %add3A_4 : i32
      %convert_element_type3A = arith.extui %lt3A_83 : i1 to i32
      %cond3A = arith.constant 0 : i32
      %cond3A_84 = arith.cmpi ne, %convert_element_type3A, %cond3A : i32
      scf.if %cond3A_84 {
        %add3A_126 = arith.constant 1 : i32
        %add3A_127 = arith.addi %while3A_65, %add3A_126 : i32
        %mul3A_128 = arith.constant 32 : i32
        %mul3A_129 = arith.muli %mul3A_128, %add3A_127 : i32
        %add3A_130 = arith.addi %add3A, %mul3A_129 : i32
        %mul3A_131 = arith.constant 128 : i32
        %mul3A_132 = arith.muli %add3A_130, %mul3A_131 : i32
        %sub3A_133 = arith.constant 1 : i32
        %sub3A_134 = arith.subi %sub3A_133, %rem3A_67 : i32
        %dma_start3A_135 = arith.constant 0 : i32
        %dma_start3A_136 = tpu.memref_slice %arg5[%sub3A_134, %dma_start3A_135] : memref<2x128xi32, #tpu.memory_space<vmem>> -> memref<1x128xi32, #tpu.memory_space<vmem>>
        %dma_start3A_137 = tpu.memref_squeeze %dma_start3A_136 : memref<1x128xi32, #tpu.memory_space<vmem>> -> memref<128xi32, #tpu.memory_space<vmem>>
        %dma_start3A_138 = tpu.memref_slice %arg3[%mul3A_132] : memref<320000xi32, #tpu.memory_space<hbm>> -> memref<128xi32, #tpu.memory_space<hbm>>
        %dma_start3A_139 = arith.constant 0 : i32
        %dma_start3A_140 = tpu.memref_slice %arg5[%sub3A_134, %dma_start3A_139] : memref<2x128xi32, #tpu.memory_space<vmem>> -> memref<1x128xi32, #tpu.memory_space<vmem>>
        %dma_start3A_141 = tpu.memref_squeeze %dma_start3A_140 : memref<1x128xi32, #tpu.memory_space<vmem>> -> memref<128xi32, #tpu.memory_space<vmem>>
        %dma_start3A_142 = tpu.memref_slice %arg3[%mul3A_132] : memref<320000xi32, #tpu.memory_space<hbm>> -> memref<128xi32, #tpu.memory_space<hbm>>
        tpu.enqueue_dma source(%dma_start3A_142 : memref<128xi32, #tpu.memory_space<hbm>>) target(%dma_start3A_141 : memref<128xi32, #tpu.memory_space<vmem>>) target_semaphore(%arg7 : memref<!tpu.dma_semaphore, #tpu.memory_space<semaphore_mem>>)
      } else {
      }
      %ge3A = arith.constant 2 : i32
      %ge3A_85 = arith.cmpi sge, %while3A_65, %ge3A : i32
      %convert_element_type3A_86 = arith.extui %ge3A_85 : i1 to i32
      %cond3A_87 = arith.constant 0 : i32
      %cond3A_88 = arith.cmpi ne, %convert_element_type3A_86, %cond3A_87 : i32
      scf.if %cond3A_88 {
        %sub3A_126 = arith.constant 2 : i32
        %sub3A_127 = arith.subi %while3A_65, %sub3A_126 : i32
        %mul3A_128 = arith.constant 32 : i32
        %mul3A_129 = arith.muli %mul3A_128, %sub3A_127 : i32
        %add3A_130 = arith.addi %add3A, %mul3A_129 : i32
        %mul3A_131 = arith.constant 128 : i32
        %mul3A_132 = arith.muli %add3A_130, %mul3A_131 : i32
        %dma_wait3A_133 = arith.constant 0 : i32
        %dma_wait3A_134 = arith.constant 0 : i32
        %dma_wait3A_135 = tpu.memref_slice %arg6[%rem3A_67, %dma_wait3A_133, %dma_wait3A_134] : memref<2x128x128xf32, #tpu.memory_space<vmem>> -> memref<1x128x128xf32, #tpu.memory_space<vmem>>
        %dma_wait3A_136 = tpu.memref_squeeze %dma_wait3A_135 : memref<1x128x128xf32, #tpu.memory_space<vmem>> -> memref<128x128xf32, #tpu.memory_space<vmem>>
        %dma_wait3A_137 = arith.constant 0 : i32
        %dma_wait3A_138 = tpu.memref_slice %arg4[%mul3A_132, %dma_wait3A_137] : memref<320000x128xf32, #tpu.memory_space<hbm>> -> memref<128x128xf32, #tpu.memory_space<hbm>>
        %dma_wait3A_139 = arith.constant 0 : i32
        %dma_wait3A_140 = tpu.memref_slice %arg4[%mul3A_132, %dma_wait3A_139] : memref<320000x128xf32, #tpu.memory_space<hbm>> -> memref<128x128xf32, #tpu.memory_space<hbm>>
        %dma_wait3A_141 = arith.constant 0 : i32
        %dma_wait3A_142 = arith.constant 0 : i32
        %dma_wait3A_143 = tpu.memref_slice %arg6[%rem3A_67, %dma_wait3A_141, %dma_wait3A_142] : memref<2x128x128xf32, #tpu.memory_space<vmem>> -> memref<1x128x128xf32, #tpu.memory_space<vmem>>
        %dma_wait3A_144 = tpu.memref_squeeze %dma_wait3A_143 : memref<1x128x128xf32, #tpu.memory_space<vmem>> -> memref<128x128xf32, #tpu.memory_space<vmem>>
        tpu.wait_dma2 semaphore(%arg9 : memref<!tpu.dma_semaphore, #tpu.memory_space<semaphore_mem>>) src(%dma_wait3A_144 : memref<128x128xf32, #tpu.memory_space<vmem>>) dst(%dma_wait3A_140 : memref<128x128xf32, #tpu.memory_space<hbm>>)
      } else {
      }
      %dma_start3A_89 = arith.constant 0 : i32
      %dma_start3A_90 = arith.constant 0 : i32
      %dma_start3A_91 = tpu.memref_slice %arg6[%rem3A_67, %dma_start3A_89, %dma_start3A_90] : memref<2x128x128xf32, #tpu.memory_space<vmem>> -> memref<1x128x128xf32, #tpu.memory_space<vmem>>
      %dma_start3A_92 = tpu.memref_squeeze %dma_start3A_91 : memref<1x128x128xf32, #tpu.memory_space<vmem>> -> memref<128x128xf32, #tpu.memory_space<vmem>>
      %dma_start3A_93 = arith.constant 0 : i32
      %dma_start3A_94 = tpu.memref_slice %arg5[%rem3A_67, %dma_start3A_93] : memref<2x128xi32, #tpu.memory_space<vmem>> -> memref<1x128xi32, #tpu.memory_space<vmem>>
      %dma_start3A_95 = tpu.memref_squeeze %dma_start3A_94 : memref<1x128xi32, #tpu.memory_space<vmem>> -> memref<128xi32, #tpu.memory_space<vmem>>
      %dma_start3A_96 = arith.constant 0 : i32
      %dma_start3A_97 = arith.constant 0 : i32
      %dma_start3A_98 = tpu.memref_slice %arg2[%dma_start3A_96, %dma_start3A_97] : memref<10000x128xf32, #tpu.memory_space<hbm>> -> memref<10000x128xf32, #tpu.memory_space<hbm>>
      tpu.enqueue_indirect_dma source(%dma_start3A_98 : memref<10000x128xf32, #tpu.memory_space<hbm>>) target(%dma_start3A_92 : memref<128x128xf32, #tpu.memory_space<vmem>>) offsets(%dma_start3A_95 : memref<128xi32, #tpu.memory_space<vmem>>) semaphore(%arg8 : memref<!tpu.dma_semaphore, #tpu.memory_space<semaphore_mem>>)
      %dma_wait3A_99 = arith.constant 0 : i32
      %dma_wait3A_100 = arith.constant 0 : i32
      %dma_wait3A_101 = tpu.memref_slice %arg6[%rem3A_67, %dma_wait3A_99, %dma_wait3A_100] : memref<2x128x128xf32, #tpu.memory_space<vmem>> -> memref<1x128x128xf32, #tpu.memory_space<vmem>>
      %dma_wait3A_102 = tpu.memref_squeeze %dma_wait3A_101 : memref<1x128x128xf32, #tpu.memory_space<vmem>> -> memref<128x128xf32, #tpu.memory_space<vmem>>
      %dma_wait3A_103 = arith.constant 0 : i32
      %dma_wait3A_104 = tpu.memref_slice %arg5[%rem3A_67, %dma_wait3A_103] : memref<2x128xi32, #tpu.memory_space<vmem>> -> memref<1x128xi32, #tpu.memory_space<vmem>>
      %dma_wait3A_105 = tpu.memref_squeeze %dma_wait3A_104 : memref<1x128xi32, #tpu.memory_space<vmem>> -> memref<128xi32, #tpu.memory_space<vmem>>
      %dma_wait3A_106 = arith.constant 0 : i32
      %dma_wait3A_107 = arith.constant 0 : i32
      %dma_wait3A_108 = tpu.memref_slice %arg2[%dma_wait3A_106, %dma_wait3A_107] : memref<10000x128xf32, #tpu.memory_space<hbm>> -> memref<10000x128xf32, #tpu.memory_space<hbm>>
      tpu.wait_indirect_dma semaphore(%arg8 : memref<!tpu.dma_semaphore, #tpu.memory_space<semaphore_mem>>) src(%dma_wait3A_108 : memref<10000x128xf32, #tpu.memory_space<hbm>>) dst(%dma_wait3A_102 : memref<128x128xf32, #tpu.memory_space<vmem>>)
      %mul3A_109 = arith.constant 32 : i32
      %mul3A_110 = arith.muli %mul3A_109, %while3A_65 : i32
      %add3A_111 = arith.addi %add3A, %mul3A_110 : i32
      %mul3A_112 = arith.constant 128 : i32
      %mul3A_113 = arith.muli %add3A_111, %mul3A_112 : i32
      %dma_start3A_114 = arith.constant 0 : i32
      %dma_start3A_115 = arith.constant 0 : i32
      %dma_start3A_116 = tpu.memref_slice %arg6[%rem3A_67, %dma_start3A_114, %dma_start3A_115] : memref<2x128x128xf32, #tpu.memory_space<vmem>> -> memref<1x128x128xf32, #tpu.memory_space<vmem>>
      %dma_start3A_117 = tpu.memref_squeeze %dma_start3A_116 : memref<1x128x128xf32, #tpu.memory_space<vmem>> -> memref<128x128xf32, #tpu.memory_space<vmem>>
      %dma_start3A_118 = arith.constant 0 : i32
      %dma_start3A_119 = tpu.memref_slice %arg4[%mul3A_113, %dma_start3A_118] : memref<320000x128xf32, #tpu.memory_space<hbm>> -> memref<128x128xf32, #tpu.memory_space<hbm>>
      %dma_start3A_120 = arith.constant 0 : i32
      %dma_start3A_121 = tpu.memref_slice %arg4[%mul3A_113, %dma_start3A_120] : memref<320000x128xf32, #tpu.memory_space<hbm>> -> memref<128x128xf32, #tpu.memory_space<hbm>>
      %dma_start3A_122 = arith.constant 0 : i32
      %dma_start3A_123 = arith.constant 0 : i32
      %dma_start3A_124 = tpu.memref_slice %arg6[%rem3A_67, %dma_start3A_122, %dma_start3A_123] : memref<2x128x128xf32, #tpu.memory_space<vmem>> -> memref<1x128x128xf32, #tpu.memory_space<vmem>>
      %dma_start3A_125 = tpu.memref_squeeze %dma_start3A_124 : memref<1x128x128xf32, #tpu.memory_space<vmem>> -> memref<128x128xf32, #tpu.memory_space<vmem>>
      tpu.enqueue_dma source(%dma_start3A_125 : memref<128x128xf32, #tpu.memory_space<vmem>>) target(%dma_start3A_121 : memref<128x128xf32, #tpu.memory_space<hbm>>) target_semaphore(%arg9 : memref<!tpu.dma_semaphore, #tpu.memory_space<semaphore_mem>>)
    }
    %rem3A = arith.constant 2 : i32
    %rem3A_26 = arith.remsi %add3A_4, %rem3A : i32
    %sub3A = arith.constant 2 : i32
    %sub3A_27 = arith.subi %add3A_4, %sub3A : i32
    %mul3A_28 = arith.constant 32 : i32
    %mul3A_29 = arith.muli %mul3A_28, %sub3A_27 : i32
    %add3A_30 = arith.addi %add3A, %mul3A_29 : i32
    %mul3A_31 = arith.constant 128 : i32
    %mul3A_32 = arith.muli %add3A_30, %mul3A_31 : i32
    %dma_wait3A = arith.constant 0 : i32
    %dma_wait3A_33 = arith.constant 0 : i32
    %dma_wait3A_34 = tpu.memref_slice %arg6[%rem3A_26, %dma_wait3A, %dma_wait3A_33] : memref<2x128x128xf32, #tpu.memory_space<vmem>> -> memref<1x128x128xf32, #tpu.memory_space<vmem>>
    %dma_wait3A_35 = tpu.memref_squeeze %dma_wait3A_34 : memref<1x128x128xf32, #tpu.memory_space<vmem>> -> memref<128x128xf32, #tpu.memory_space<vmem>>
    %dma_wait3A_36 = arith.constant 0 : i32
    %dma_wait3A_37 = tpu.memref_slice %arg4[%mul3A_32, %dma_wait3A_36] : memref<320000x128xf32, #tpu.memory_space<hbm>> -> memref<128x128xf32, #tpu.memory_space<hbm>>
    %dma_wait3A_38 = arith.constant 0 : i32
    %dma_wait3A_39 = tpu.memref_slice %arg4[%mul3A_32, %dma_wait3A_38] : memref<320000x128xf32, #tpu.memory_space<hbm>> -> memref<128x128xf32, #tpu.memory_space<hbm>>
    %dma_wait3A_40 = arith.constant 0 : i32
    %dma_wait3A_41 = arith.constant 0 : i32
    %dma_wait3A_42 = tpu.memref_slice %arg6[%rem3A_26, %dma_wait3A_40, %dma_wait3A_41] : memref<2x128x128xf32, #tpu.memory_space<vmem>> -> memref<1x128x128xf32, #tpu.memory_space<vmem>>
    %dma_wait3A_43 = tpu.memref_squeeze %dma_wait3A_42 : memref<1x128x128xf32, #tpu.memory_space<vmem>> -> memref<128x128xf32, #tpu.memory_space<vmem>>
    tpu.wait_dma2 semaphore(%arg9 : memref<!tpu.dma_semaphore, #tpu.memory_space<semaphore_mem>>) src(%dma_wait3A_43 : memref<128x128xf32, #tpu.memory_space<vmem>>) dst(%dma_wait3A_39 : memref<128x128xf32, #tpu.memory_space<hbm>>)
    %sub3A_44 = arith.constant 1 : i32
    %sub3A_45 = arith.subi %sub3A_44, %rem3A_26 : i32
    %sub3A_46 = arith.constant 1 : i32
    %sub3A_47 = arith.subi %add3A_4, %sub3A_46 : i32
    %mul3A_48 = arith.constant 32 : i32
    %mul3A_49 = arith.muli %mul3A_48, %sub3A_47 : i32
    %add3A_50 = arith.addi %add3A, %mul3A_49 : i32
    %mul3A_51 = arith.constant 128 : i32
    %mul3A_52 = arith.muli %add3A_50, %mul3A_51 : i32
    %dma_wait3A_53 = arith.constant 0 : i32
    %dma_wait3A_54 = arith.constant 0 : i32
    %dma_wait3A_55 = tpu.memref_slice %arg6[%sub3A_45, %dma_wait3A_53, %dma_wait3A_54] : memref<2x128x128xf32, #tpu.memory_space<vmem>> -> memref<1x128x128xf32, #tpu.memory_space<vmem>>
    %dma_wait3A_56 = tpu.memref_squeeze %dma_wait3A_55 : memref<1x128x128xf32, #tpu.memory_space<vmem>> -> memref<128x128xf32, #tpu.memory_space<vmem>>
    %dma_wait3A_57 = arith.constant 0 : i32
    %dma_wait3A_58 = tpu.memref_slice %arg4[%mul3A_52, %dma_wait3A_57] : memref<320000x128xf32, #tpu.memory_space<hbm>> -> memref<128x128xf32, #tpu.memory_space<hbm>>
    %dma_wait3A_59 = arith.constant 0 : i32
    %dma_wait3A_60 = tpu.memref_slice %arg4[%mul3A_52, %dma_wait3A_59] : memref<320000x128xf32, #tpu.memory_space<hbm>> -> memref<128x128xf32, #tpu.memory_space<hbm>>
    %dma_wait3A_61 = arith.constant 0 : i32
    %dma_wait3A_62 = arith.constant 0 : i32
    %dma_wait3A_63 = tpu.memref_slice %arg6[%sub3A_45, %dma_wait3A_61, %dma_wait3A_62] : memref<2x128x128xf32, #tpu.memory_space<vmem>> -> memref<1x128x128xf32, #tpu.memory_space<vmem>>
    %dma_wait3A_64 = tpu.memref_squeeze %dma_wait3A_63 : memref<1x128x128xf32, #tpu.memory_space<vmem>> -> memref<128x128xf32, #tpu.memory_space<vmem>>
    tpu.wait_dma2 semaphore(%arg9 : memref<!tpu.dma_semaphore, #tpu.memory_space<semaphore_mem>>) src(%dma_wait3A_64 : memref<128x128xf32, #tpu.memory_space<vmem>>) dst(%dma_wait3A_60 : memref<128x128xf32, #tpu.memory_space<hbm>>)
    return
  }
}

#map = affine_map<(d0, d1) -> (0, 0)>
#map1 = affine_map<(d0, d1) -> (0)>
#map2 = affine_map<(d0, d1) -> (0, 0, 0)>
module attributes {stable_mosaic.version = 14 : i64} {
  func.func @scatter_k(%arg0: i32, %arg1: i32, %arg2: memref<320000x128xf32, #tpu.memory_space<hbm>>, %arg3: memref<320000xi32, #tpu.memory_space<hbm>>, %arg4: memref<10000x128xf32, #tpu.memory_space<hbm>>, %arg5: memref<2x10000x128xf32, #tpu.memory_space<hbm>>, %arg6: memref<2x128xi32, #tpu.memory_space<vmem>>, %arg7: memref<2x128x128xf32, #tpu.memory_space<vmem>>, %arg8: memref<10000x128xf32, #tpu.memory_space<vmem_shared>>, %arg9: memref<!tpu.dma_semaphore, #tpu.memory_space<semaphore_mem>>, %arg10: memref<!tpu.dma_semaphore, #tpu.memory_space<semaphore_mem>>, %arg11: memref<!tpu.dma_semaphore, #tpu.memory_space<semaphore_mem>>) attributes {dimension_semantics = [#tpu.dimension_semantics<core_parallel>, #tpu.dimension_semantics<subcore_parallel>], iteration_bounds = array<i64: 2, 16>, scalar_prefetch = 0 : i64, scratch_operands = 6 : i64, tpu.core_type = #tpu.core_type<sc_vector_subcore>, window_params = [{transform_indices = #map}, {transform_indices = #map1}, {transform_indices = #map}, {transform_indices = #map2}]} {
    %mul3A = arith.constant 2 : i32
    %mul3A_0 = arith.muli %arg1, %mul3A : i32
    %add3A = arith.addi %mul3A_0, %arg0 : i32
    %eq3A = arith.constant 0 : i32
    %eq3A_1 = arith.cmpi eq, %arg1, %eq3A : i32
    %convert_element_type3A = arith.extui %eq3A_1 : i1 to i32
    %cond3A = arith.constant 0 : i32
    %cond3A_2 = arith.cmpi ne, %convert_element_type3A, %cond3A : i32
    scf.if %cond3A_2 {
      "tpu.region"() ({
        %run_scoped3A = tpu.sem_alloc : memref<!tpu.dma_semaphore, #tpu.memory_space<semaphore_mem>>
        tpu.enqueue_dma source(%arg4 : memref<10000x128xf32, #tpu.memory_space<hbm>>) target(%arg8 : memref<10000x128xf32, #tpu.memory_space<vmem_shared>>) target_semaphore(%run_scoped3A : memref<!tpu.dma_semaphore, #tpu.memory_space<semaphore_mem>>)
        tpu.wait_dma2 semaphore(%run_scoped3A : memref<!tpu.dma_semaphore, #tpu.memory_space<semaphore_mem>>) src(%arg4 : memref<10000x128xf32, #tpu.memory_space<hbm>>) dst(%arg8 : memref<10000x128xf32, #tpu.memory_space<vmem_shared>>)
        tpu.yield
      }) : () -> ()
    } else {
    }
    %barrier3A = arith.constant 0 : index
    tpu.barrier barrier_id(%barrier3A)
    %lt3A = arith.constant 4 : i32
    %lt3A_3 = arith.cmpi slt, %add3A, %lt3A : i32
    %jit3A = arith.constant 1 : i32
    %jit3A_4 = arith.constant 0 : i32
    %select_n3A = arith.select %lt3A_3, %jit3A, %jit3A_4 : i32
    %add3A_5 = arith.constant 78 : i32
    %add3A_6 = arith.addi %add3A_5, %select_n3A : i32
    %add3A_7 = arith.constant 0 : i32
    %add3A_8 = arith.addi %add3A, %add3A_7 : i32
    %mul3A_9 = arith.constant 128 : i32
    %mul3A_10 = arith.muli %add3A_8, %mul3A_9 : i32
    %dma_start3A = arith.constant 0 : i32
    %dma_start3A_11 = arith.constant 0 : i32
    %dma_start3A_12 = tpu.memref_slice %arg6[%dma_start3A, %dma_start3A_11] : memref<2x128xi32, #tpu.memory_space<vmem>> -> memref<1x128xi32, #tpu.memory_space<vmem>>
    %dma_start3A_13 = tpu.memref_squeeze %dma_start3A_12 : memref<1x128xi32, #tpu.memory_space<vmem>> -> memref<128xi32, #tpu.memory_space<vmem>>
    %dma_start3A_14 = tpu.memref_slice %arg3[%mul3A_10] : memref<320000xi32, #tpu.memory_space<hbm>> -> memref<128xi32, #tpu.memory_space<hbm>>
    %dma_start3A_15 = arith.constant 0 : i32
    %dma_start3A_16 = tpu.memref_slice %arg6[%dma_start3A, %dma_start3A_15] : memref<2x128xi32, #tpu.memory_space<vmem>> -> memref<1x128xi32, #tpu.memory_space<vmem>>
    %dma_start3A_17 = tpu.memref_squeeze %dma_start3A_16 : memref<1x128xi32, #tpu.memory_space<vmem>> -> memref<128xi32, #tpu.memory_space<vmem>>
    %dma_start3A_18 = tpu.memref_slice %arg3[%mul3A_10] : memref<320000xi32, #tpu.memory_space<hbm>> -> memref<128xi32, #tpu.memory_space<hbm>>
    tpu.enqueue_dma source(%dma_start3A_18 : memref<128xi32, #tpu.memory_space<hbm>>) target(%dma_start3A_17 : memref<128xi32, #tpu.memory_space<vmem>>) target_semaphore(%arg9 : memref<!tpu.dma_semaphore, #tpu.memory_space<semaphore_mem>>)
    %add3A_19 = arith.constant 0 : i32
    %add3A_20 = arith.addi %add3A, %add3A_19 : i32
    %mul3A_21 = arith.constant 128 : i32
    %mul3A_22 = arith.muli %add3A_20, %mul3A_21 : i32
    %dma_start3A_23 = arith.constant 0 : i32
    %dma_start3A_24 = arith.constant 0 : i32
    %dma_start3A_25 = arith.constant 0 : i32
    %dma_start3A_26 = tpu.memref_slice %arg7[%dma_start3A_23, %dma_start3A_24, %dma_start3A_25] : memref<2x128x128xf32, #tpu.memory_space<vmem>> -> memref<1x128x128xf32, #tpu.memory_space<vmem>>
    %dma_start3A_27 = tpu.memref_squeeze %dma_start3A_26 : memref<1x128x128xf32, #tpu.memory_space<vmem>> -> memref<128x128xf32, #tpu.memory_space<vmem>>
    %dma_start3A_28 = arith.constant 0 : i32
    %dma_start3A_29 = tpu.memref_slice %arg2[%mul3A_22, %dma_start3A_28] : memref<320000x128xf32, #tpu.memory_space<hbm>> -> memref<128x128xf32, #tpu.memory_space<hbm>>
    %dma_start3A_30 = arith.constant 0 : i32
    %dma_start3A_31 = arith.constant 0 : i32
    %dma_start3A_32 = tpu.memref_slice %arg7[%dma_start3A_23, %dma_start3A_30, %dma_start3A_31] : memref<2x128x128xf32, #tpu.memory_space<vmem>> -> memref<1x128x128xf32, #tpu.memory_space<vmem>>
    %dma_start3A_33 = tpu.memref_squeeze %dma_start3A_32 : memref<1x128x128xf32, #tpu.memory_space<vmem>> -> memref<128x128xf32, #tpu.memory_space<vmem>>
    %dma_start3A_34 = arith.constant 0 : i32
    %dma_start3A_35 = tpu.memref_slice %arg2[%mul3A_22, %dma_start3A_34] : memref<320000x128xf32, #tpu.memory_space<hbm>> -> memref<128x128xf32, #tpu.memory_space<hbm>>
    tpu.enqueue_dma source(%dma_start3A_35 : memref<128x128xf32, #tpu.memory_space<hbm>>) target(%dma_start3A_33 : memref<128x128xf32, #tpu.memory_space<vmem>>) target_semaphore(%arg10 : memref<!tpu.dma_semaphore, #tpu.memory_space<semaphore_mem>>)
    %while3A = arith.constant 0 : i32
    %while3A_36 = arith.constant 0 : i32
    %while3A_37 = arith.subi %add3A_6, %while3A_36 : i32
    %while3A_38 = arith.addi %while3A_36, %while3A_37 : i32
    %while3A_39 = arith.constant 1 : i32
    %while3A_40 = arith.divsi %while3A_37, %while3A_39 : i32
    %while3A_41 = arith.muli %while3A_40, %while3A_39 : i32
    %while3A_42 = arith.addi %while3A_36, %while3A_41 : i32
    %while3A_43 = arith.constant 1 : i32
    scf.for %while3A_73 = %while3A_36 to %while3A_42 step %while3A_43  : i32 {
      %rem3A = arith.constant 2 : i32
      %rem3A_74 = arith.remsi %while3A_73, %rem3A : i32
      %mul3A_75 = arith.constant 32 : i32
      %mul3A_76 = arith.muli %mul3A_75, %while3A_73 : i32
      %add3A_77 = arith.addi %add3A, %mul3A_76 : i32
      %mul3A_78 = arith.constant 128 : i32
      %mul3A_79 = arith.muli %add3A_77, %mul3A_78 : i32
      %dma_wait3A = arith.constant 0 : i32
      %dma_wait3A_80 = tpu.memref_slice %arg6[%rem3A_74, %dma_wait3A] : memref<2x128xi32, #tpu.memory_space<vmem>> -> memref<1x128xi32, #tpu.memory_space<vmem>>
      %dma_wait3A_81 = tpu.memref_squeeze %dma_wait3A_80 : memref<1x128xi32, #tpu.memory_space<vmem>> -> memref<128xi32, #tpu.memory_space<vmem>>
      %dma_wait3A_82 = tpu.memref_slice %arg3[%mul3A_79] : memref<320000xi32, #tpu.memory_space<hbm>> -> memref<128xi32, #tpu.memory_space<hbm>>
      %dma_wait3A_83 = arith.constant 0 : i32
      %dma_wait3A_84 = tpu.memref_slice %arg6[%rem3A_74, %dma_wait3A_83] : memref<2x128xi32, #tpu.memory_space<vmem>> -> memref<1x128xi32, #tpu.memory_space<vmem>>
      %dma_wait3A_85 = tpu.memref_squeeze %dma_wait3A_84 : memref<1x128xi32, #tpu.memory_space<vmem>> -> memref<128xi32, #tpu.memory_space<vmem>>
      %dma_wait3A_86 = tpu.memref_slice %arg3[%mul3A_79] : memref<320000xi32, #tpu.memory_space<hbm>> -> memref<128xi32, #tpu.memory_space<hbm>>
      tpu.wait_dma2 semaphore(%arg9 : memref<!tpu.dma_semaphore, #tpu.memory_space<semaphore_mem>>) src(%dma_wait3A_86 : memref<128xi32, #tpu.memory_space<hbm>>) dst(%dma_wait3A_85 : memref<128xi32, #tpu.memory_space<vmem>>)
      %mul3A_87 = arith.constant 32 : i32
      %mul3A_88 = arith.muli %mul3A_87, %while3A_73 : i32
      %add3A_89 = arith.addi %add3A, %mul3A_88 : i32
      %mul3A_90 = arith.constant 128 : i32
      %mul3A_91 = arith.muli %add3A_89, %mul3A_90 : i32
      %dma_wait3A_92 = arith.constant 0 : i32
      %dma_wait3A_93 = arith.constant 0 : i32
      %dma_wait3A_94 = tpu.memref_slice %arg7[%rem3A_74, %dma_wait3A_92, %dma_wait3A_93] : memref<2x128x128xf32, #tpu.memory_space<vmem>> -> memref<1x128x128xf32, #tpu.memory_space<vmem>>
      %dma_wait3A_95 = tpu.memref_squeeze %dma_wait3A_94 : memref<1x128x128xf32, #tpu.memory_space<vmem>> -> memref<128x128xf32, #tpu.memory_space<vmem>>
      %dma_wait3A_96 = arith.constant 0 : i32
      %dma_wait3A_97 = tpu.memref_slice %arg2[%mul3A_91, %dma_wait3A_96] : memref<320000x128xf32, #tpu.memory_space<hbm>> -> memref<128x128xf32, #tpu.memory_space<hbm>>
      %dma_wait3A_98 = arith.constant 0 : i32
      %dma_wait3A_99 = arith.constant 0 : i32
      %dma_wait3A_100 = tpu.memref_slice %arg7[%rem3A_74, %dma_wait3A_98, %dma_wait3A_99] : memref<2x128x128xf32, #tpu.memory_space<vmem>> -> memref<1x128x128xf32, #tpu.memory_space<vmem>>
      %dma_wait3A_101 = tpu.memref_squeeze %dma_wait3A_100 : memref<1x128x128xf32, #tpu.memory_space<vmem>> -> memref<128x128xf32, #tpu.memory_space<vmem>>
      %dma_wait3A_102 = arith.constant 0 : i32
      %dma_wait3A_103 = tpu.memref_slice %arg2[%mul3A_91, %dma_wait3A_102] : memref<320000x128xf32, #tpu.memory_space<hbm>> -> memref<128x128xf32, #tpu.memory_space<hbm>>
      tpu.wait_dma2 semaphore(%arg10 : memref<!tpu.dma_semaphore, #tpu.memory_space<semaphore_mem>>) src(%dma_wait3A_103 : memref<128x128xf32, #tpu.memory_space<hbm>>) dst(%dma_wait3A_101 : memref<128x128xf32, #tpu.memory_space<vmem>>)
      %add3A_104 = arith.constant 1 : i32
      %add3A_105 = arith.addi %while3A_73, %add3A_104 : i32
      %lt3A_106 = arith.cmpi slt, %add3A_105, %add3A_6 : i32
      %convert_element_type3A_107 = arith.extui %lt3A_106 : i1 to i32
      %cond3A_108 = arith.constant 0 : i32
      %cond3A_109 = arith.cmpi ne, %convert_element_type3A_107, %cond3A_108 : i32
      scf.if %cond3A_109 {
        %add3A_130 = arith.constant 1 : i32
        %add3A_131 = arith.addi %while3A_73, %add3A_130 : i32
        %mul3A_132 = arith.constant 32 : i32
        %mul3A_133 = arith.muli %mul3A_132, %add3A_131 : i32
        %add3A_134 = arith.addi %add3A, %mul3A_133 : i32
        %mul3A_135 = arith.constant 128 : i32
        %mul3A_136 = arith.muli %add3A_134, %mul3A_135 : i32
        %sub3A = arith.constant 1 : i32
        %sub3A_137 = arith.subi %sub3A, %rem3A_74 : i32
        %dma_start3A_138 = arith.constant 0 : i32
        %dma_start3A_139 = tpu.memref_slice %arg6[%sub3A_137, %dma_start3A_138] : memref<2x128xi32, #tpu.memory_space<vmem>> -> memref<1x128xi32, #tpu.memory_space<vmem>>
        %dma_start3A_140 = tpu.memref_squeeze %dma_start3A_139 : memref<1x128xi32, #tpu.memory_space<vmem>> -> memref<128xi32, #tpu.memory_space<vmem>>
        %dma_start3A_141 = tpu.memref_slice %arg3[%mul3A_136] : memref<320000xi32, #tpu.memory_space<hbm>> -> memref<128xi32, #tpu.memory_space<hbm>>
        %dma_start3A_142 = arith.constant 0 : i32
        %dma_start3A_143 = tpu.memref_slice %arg6[%sub3A_137, %dma_start3A_142] : memref<2x128xi32, #tpu.memory_space<vmem>> -> memref<1x128xi32, #tpu.memory_space<vmem>>
        %dma_start3A_144 = tpu.memref_squeeze %dma_start3A_143 : memref<1x128xi32, #tpu.memory_space<vmem>> -> memref<128xi32, #tpu.memory_space<vmem>>
        %dma_start3A_145 = tpu.memref_slice %arg3[%mul3A_136] : memref<320000xi32, #tpu.memory_space<hbm>> -> memref<128xi32, #tpu.memory_space<hbm>>
        tpu.enqueue_dma source(%dma_start3A_145 : memref<128xi32, #tpu.memory_space<hbm>>) target(%dma_start3A_144 : memref<128xi32, #tpu.memory_space<vmem>>) target_semaphore(%arg9 : memref<!tpu.dma_semaphore, #tpu.memory_space<semaphore_mem>>)
        %add3A_146 = arith.constant 1 : i32
        %add3A_147 = arith.addi %while3A_73, %add3A_146 : i32
        %mul3A_148 = arith.constant 32 : i32
        %mul3A_149 = arith.muli %mul3A_148, %add3A_147 : i32
        %add3A_150 = arith.addi %add3A, %mul3A_149 : i32
        %mul3A_151 = arith.constant 128 : i32
        %mul3A_152 = arith.muli %add3A_150, %mul3A_151 : i32
        %sub3A_153 = arith.constant 1 : i32
        %sub3A_154 = arith.subi %sub3A_153, %rem3A_74 : i32
        %dma_start3A_155 = arith.constant 0 : i32
        %dma_start3A_156 = arith.constant 0 : i32
        %dma_start3A_157 = tpu.memref_slice %arg7[%sub3A_154, %dma_start3A_155, %dma_start3A_156] : memref<2x128x128xf32, #tpu.memory_space<vmem>> -> memref<1x128x128xf32, #tpu.memory_space<vmem>>
        %dma_start3A_158 = tpu.memref_squeeze %dma_start3A_157 : memref<1x128x128xf32, #tpu.memory_space<vmem>> -> memref<128x128xf32, #tpu.memory_space<vmem>>
        %dma_start3A_159 = arith.constant 0 : i32
        %dma_start3A_160 = tpu.memref_slice %arg2[%mul3A_152, %dma_start3A_159] : memref<320000x128xf32, #tpu.memory_space<hbm>> -> memref<128x128xf32, #tpu.memory_space<hbm>>
        %dma_start3A_161 = arith.constant 0 : i32
        %dma_start3A_162 = arith.constant 0 : i32
        %dma_start3A_163 = tpu.memref_slice %arg7[%sub3A_154, %dma_start3A_161, %dma_start3A_162] : memref<2x128x128xf32, #tpu.memory_space<vmem>> -> memref<1x128x128xf32, #tpu.memory_space<vmem>>
        %dma_start3A_164 = tpu.memref_squeeze %dma_start3A_163 : memref<1x128x128xf32, #tpu.memory_space<vmem>> -> memref<128x128xf32, #tpu.memory_space<vmem>>
        %dma_start3A_165 = arith.constant 0 : i32
        %dma_start3A_166 = tpu.memref_slice %arg2[%mul3A_152, %dma_start3A_165] : memref<320000x128xf32, #tpu.memory_space<hbm>> -> memref<128x128xf32, #tpu.memory_space<hbm>>
        tpu.enqueue_dma source(%dma_start3A_166 : memref<128x128xf32, #tpu.memory_space<hbm>>) target(%dma_start3A_164 : memref<128x128xf32, #tpu.memory_space<vmem>>) target_semaphore(%arg10 : memref<!tpu.dma_semaphore, #tpu.memory_space<semaphore_mem>>)
      } else {
      }
      %dma_start3A_110 = arith.constant 0 : i32
      %dma_start3A_111 = arith.constant 0 : i32
      %dma_start3A_112 = tpu.memref_slice %arg7[%rem3A_74, %dma_start3A_110, %dma_start3A_111] : memref<2x128x128xf32, #tpu.memory_space<vmem>> -> memref<1x128x128xf32, #tpu.memory_space<vmem>>
      %dma_start3A_113 = tpu.memref_squeeze %dma_start3A_112 : memref<1x128x128xf32, #tpu.memory_space<vmem>> -> memref<128x128xf32, #tpu.memory_space<vmem>>
      %dma_start3A_114 = arith.constant 0 : i32
      %dma_start3A_115 = tpu.memref_slice %arg6[%rem3A_74, %dma_start3A_114] : memref<2x128xi32, #tpu.memory_space<vmem>> -> memref<1x128xi32, #tpu.memory_space<vmem>>
      %dma_start3A_116 = tpu.memref_squeeze %dma_start3A_115 : memref<1x128xi32, #tpu.memory_space<vmem>> -> memref<128xi32, #tpu.memory_space<vmem>>
      %dma_start3A_117 = arith.constant 0 : i32
      %dma_start3A_118 = arith.constant 0 : i32
      %dma_start3A_119 = tpu.memref_slice %arg8[%dma_start3A_117, %dma_start3A_118] : memref<10000x128xf32, #tpu.memory_space<vmem_shared>> -> memref<10000x128xf32, #tpu.memory_space<vmem_shared>>
      tpu.enqueue_indirect_dma source(%dma_start3A_113 : memref<128x128xf32, #tpu.memory_space<vmem>>) target(%dma_start3A_119 : memref<10000x128xf32, #tpu.memory_space<vmem_shared>>) offsets(%dma_start3A_116 : memref<128xi32, #tpu.memory_space<vmem>>) semaphore(%arg11 : memref<!tpu.dma_semaphore, #tpu.memory_space<semaphore_mem>>) {add = true}
      %dma_wait3A_120 = arith.constant 0 : i32
      %dma_wait3A_121 = arith.constant 0 : i32
      %dma_wait3A_122 = tpu.memref_slice %arg7[%rem3A_74, %dma_wait3A_120, %dma_wait3A_121] : memref<2x128x128xf32, #tpu.memory_space<vmem>> -> memref<1x128x128xf32, #tpu.memory_space<vmem>>
      %dma_wait3A_123 = tpu.memref_squeeze %dma_wait3A_122 : memref<1x128x128xf32, #tpu.memory_space<vmem>> -> memref<128x128xf32, #tpu.memory_space<vmem>>
      %dma_wait3A_124 = arith.constant 0 : i32
      %dma_wait3A_125 = tpu.memref_slice %arg6[%rem3A_74, %dma_wait3A_124] : memref<2x128xi32, #tpu.memory_space<vmem>> -> memref<1x128xi32, #tpu.memory_space<vmem>>
      %dma_wait3A_126 = tpu.memref_squeeze %dma_wait3A_125 : memref<1x128xi32, #tpu.memory_space<vmem>> -> memref<128xi32, #tpu.memory_space<vmem>>
      %dma_wait3A_127 = arith.constant 0 : i32
      %dma_wait3A_128 = arith.constant 0 : i32
      %dma_wait3A_129 = tpu.memref_slice %arg8[%dma_wait3A_127, %dma_wait3A_128] : memref<10000x128xf32, #tpu.memory_space<vmem_shared>> -> memref<10000x128xf32, #tpu.memory_space<vmem_shared>>
      tpu.wait_indirect_dma semaphore(%arg11 : memref<!tpu.dma_semaphore, #tpu.memory_space<semaphore_mem>>) src(%dma_wait3A_123 : memref<128x128xf32, #tpu.memory_space<vmem>>) dst(%dma_wait3A_129 : memref<10000x128xf32, #tpu.memory_space<vmem_shared>>)
    }
    %while3A_44 = arith.constant 1 : i32
    scf.for %while3A_73 = %while3A_42 to %while3A_38 step %while3A_44  : i32 {
      %rem3A = arith.constant 2 : i32
      %rem3A_74 = arith.remsi %while3A_73, %rem3A : i32
      %mul3A_75 = arith.constant 32 : i32
      %mul3A_76 = arith.muli %mul3A_75, %while3A_73 : i32
      %add3A_77 = arith.addi %add3A, %mul3A_76 : i32
      %mul3A_78 = arith.constant 128 : i32
      %mul3A_79 = arith.muli %add3A_77, %mul3A_78 : i32
      %dma_wait3A = arith.constant 0 : i32
      %dma_wait3A_80 = tpu.memref_slice %arg6[%rem3A_74, %dma_wait3A] : memref<2x128xi32, #tpu.memory_space<vmem>> -> memref<1x128xi32, #tpu.memory_space<vmem>>
      %dma_wait3A_81 = tpu.memref_squeeze %dma_wait3A_80 : memref<1x128xi32, #tpu.memory_space<vmem>> -> memref<128xi32, #tpu.memory_space<vmem>>
      %dma_wait3A_82 = tpu.memref_slice %arg3[%mul3A_79] : memref<320000xi32, #tpu.memory_space<hbm>> -> memref<128xi32, #tpu.memory_space<hbm>>
      %dma_wait3A_83 = arith.constant 0 : i32
      %dma_wait3A_84 = tpu.memref_slice %arg6[%rem3A_74, %dma_wait3A_83] : memref<2x128xi32, #tpu.memory_space<vmem>> -> memref<1x128xi32, #tpu.memory_space<vmem>>
      %dma_wait3A_85 = tpu.memref_squeeze %dma_wait3A_84 : memref<1x128xi32, #tpu.memory_space<vmem>> -> memref<128xi32, #tpu.memory_space<vmem>>
      %dma_wait3A_86 = tpu.memref_slice %arg3[%mul3A_79] : memref<320000xi32, #tpu.memory_space<hbm>> -> memref<128xi32, #tpu.memory_space<hbm>>
      tpu.wait_dma2 semaphore(%arg9 : memref<!tpu.dma_semaphore, #tpu.memory_space<semaphore_mem>>) src(%dma_wait3A_86 : memref<128xi32, #tpu.memory_space<hbm>>) dst(%dma_wait3A_85 : memref<128xi32, #tpu.memory_space<vmem>>)
      %mul3A_87 = arith.constant 32 : i32
      %mul3A_88 = arith.muli %mul3A_87, %while3A_73 : i32
      %add3A_89 = arith.addi %add3A, %mul3A_88 : i32
      %mul3A_90 = arith.constant 128 : i32
      %mul3A_91 = arith.muli %add3A_89, %mul3A_90 : i32
      %dma_wait3A_92 = arith.constant 0 : i32
      %dma_wait3A_93 = arith.constant 0 : i32
      %dma_wait3A_94 = tpu.memref_slice %arg7[%rem3A_74, %dma_wait3A_92, %dma_wait3A_93] : memref<2x128x128xf32, #tpu.memory_space<vmem>> -> memref<1x128x128xf32, #tpu.memory_space<vmem>>
      %dma_wait3A_95 = tpu.memref_squeeze %dma_wait3A_94 : memref<1x128x128xf32, #tpu.memory_space<vmem>> -> memref<128x128xf32, #tpu.memory_space<vmem>>
      %dma_wait3A_96 = arith.constant 0 : i32
      %dma_wait3A_97 = tpu.memref_slice %arg2[%mul3A_91, %dma_wait3A_96] : memref<320000x128xf32, #tpu.memory_space<hbm>> -> memref<128x128xf32, #tpu.memory_space<hbm>>
      %dma_wait3A_98 = arith.constant 0 : i32
      %dma_wait3A_99 = arith.constant 0 : i32
      %dma_wait3A_100 = tpu.memref_slice %arg7[%rem3A_74, %dma_wait3A_98, %dma_wait3A_99] : memref<2x128x128xf32, #tpu.memory_space<vmem>> -> memref<1x128x128xf32, #tpu.memory_space<vmem>>
      %dma_wait3A_101 = tpu.memref_squeeze %dma_wait3A_100 : memref<1x128x128xf32, #tpu.memory_space<vmem>> -> memref<128x128xf32, #tpu.memory_space<vmem>>
      %dma_wait3A_102 = arith.constant 0 : i32
      %dma_wait3A_103 = tpu.memref_slice %arg2[%mul3A_91, %dma_wait3A_102] : memref<320000x128xf32, #tpu.memory_space<hbm>> -> memref<128x128xf32, #tpu.memory_space<hbm>>
      tpu.wait_dma2 semaphore(%arg10 : memref<!tpu.dma_semaphore, #tpu.memory_space<semaphore_mem>>) src(%dma_wait3A_103 : memref<128x128xf32, #tpu.memory_space<hbm>>) dst(%dma_wait3A_101 : memref<128x128xf32, #tpu.memory_space<vmem>>)
      %add3A_104 = arith.constant 1 : i32
      %add3A_105 = arith.addi %while3A_73, %add3A_104 : i32
      %lt3A_106 = arith.cmpi slt, %add3A_105, %add3A_6 : i32
      %convert_element_type3A_107 = arith.extui %lt3A_106 : i1 to i32
      %cond3A_108 = arith.constant 0 : i32
      %cond3A_109 = arith.cmpi ne, %convert_element_type3A_107, %cond3A_108 : i32
      scf.if %cond3A_109 {
        %add3A_130 = arith.constant 1 : i32
        %add3A_131 = arith.addi %while3A_73, %add3A_130 : i32
        %mul3A_132 = arith.constant 32 : i32
        %mul3A_133 = arith.muli %mul3A_132, %add3A_131 : i32
        %add3A_134 = arith.addi %add3A, %mul3A_133 : i32
        %mul3A_135 = arith.constant 128 : i32
        %mul3A_136 = arith.muli %add3A_134, %mul3A_135 : i32
        %sub3A = arith.constant 1 : i32
        %sub3A_137 = arith.subi %sub3A, %rem3A_74 : i32
        %dma_start3A_138 = arith.constant 0 : i32
        %dma_start3A_139 = tpu.memref_slice %arg6[%sub3A_137, %dma_start3A_138] : memref<2x128xi32, #tpu.memory_space<vmem>> -> memref<1x128xi32, #tpu.memory_space<vmem>>
        %dma_start3A_140 = tpu.memref_squeeze %dma_start3A_139 : memref<1x128xi32, #tpu.memory_space<vmem>> -> memref<128xi32, #tpu.memory_space<vmem>>
        %dma_start3A_141 = tpu.memref_slice %arg3[%mul3A_136] : memref<320000xi32, #tpu.memory_space<hbm>> -> memref<128xi32, #tpu.memory_space<hbm>>
        %dma_start3A_142 = arith.constant 0 : i32
        %dma_start3A_143 = tpu.memref_slice %arg6[%sub3A_137, %dma_start3A_142] : memref<2x128xi32, #tpu.memory_space<vmem>> -> memref<1x128xi32, #tpu.memory_space<vmem>>
        %dma_start3A_144 = tpu.memref_squeeze %dma_start3A_143 : memref<1x128xi32, #tpu.memory_space<vmem>> -> memref<128xi32, #tpu.memory_space<vmem>>
        %dma_start3A_145 = tpu.memref_slice %arg3[%mul3A_136] : memref<320000xi32, #tpu.memory_space<hbm>> -> memref<128xi32, #tpu.memory_space<hbm>>
        tpu.enqueue_dma source(%dma_start3A_145 : memref<128xi32, #tpu.memory_space<hbm>>) target(%dma_start3A_144 : memref<128xi32, #tpu.memory_space<vmem>>) target_semaphore(%arg9 : memref<!tpu.dma_semaphore, #tpu.memory_space<semaphore_mem>>)
        %add3A_146 = arith.constant 1 : i32
        %add3A_147 = arith.addi %while3A_73, %add3A_146 : i32
        %mul3A_148 = arith.constant 32 : i32
        %mul3A_149 = arith.muli %mul3A_148, %add3A_147 : i32
        %add3A_150 = arith.addi %add3A, %mul3A_149 : i32
        %mul3A_151 = arith.constant 128 : i32
        %mul3A_152 = arith.muli %add3A_150, %mul3A_151 : i32
        %sub3A_153 = arith.constant 1 : i32
        %sub3A_154 = arith.subi %sub3A_153, %rem3A_74 : i32
        %dma_start3A_155 = arith.constant 0 : i32
        %dma_start3A_156 = arith.constant 0 : i32
        %dma_start3A_157 = tpu.memref_slice %arg7[%sub3A_154, %dma_start3A_155, %dma_start3A_156] : memref<2x128x128xf32, #tpu.memory_space<vmem>> -> memref<1x128x128xf32, #tpu.memory_space<vmem>>
        %dma_start3A_158 = tpu.memref_squeeze %dma_start3A_157 : memref<1x128x128xf32, #tpu.memory_space<vmem>> -> memref<128x128xf32, #tpu.memory_space<vmem>>
        %dma_start3A_159 = arith.constant 0 : i32
        %dma_start3A_160 = tpu.memref_slice %arg2[%mul3A_152, %dma_start3A_159] : memref<320000x128xf32, #tpu.memory_space<hbm>> -> memref<128x128xf32, #tpu.memory_space<hbm>>
        %dma_start3A_161 = arith.constant 0 : i32
        %dma_start3A_162 = arith.constant 0 : i32
        %dma_start3A_163 = tpu.memref_slice %arg7[%sub3A_154, %dma_start3A_161, %dma_start3A_162] : memref<2x128x128xf32, #tpu.memory_space<vmem>> -> memref<1x128x128xf32, #tpu.memory_space<vmem>>
        %dma_start3A_164 = tpu.memref_squeeze %dma_start3A_163 : memref<1x128x128xf32, #tpu.memory_space<vmem>> -> memref<128x128xf32, #tpu.memory_space<vmem>>
        %dma_start3A_165 = arith.constant 0 : i32
        %dma_start3A_166 = tpu.memref_slice %arg2[%mul3A_152, %dma_start3A_165] : memref<320000x128xf32, #tpu.memory_space<hbm>> -> memref<128x128xf32, #tpu.memory_space<hbm>>
        tpu.enqueue_dma source(%dma_start3A_166 : memref<128x128xf32, #tpu.memory_space<hbm>>) target(%dma_start3A_164 : memref<128x128xf32, #tpu.memory_space<vmem>>) target_semaphore(%arg10 : memref<!tpu.dma_semaphore, #tpu.memory_space<semaphore_mem>>)
      } else {
      }
      %dma_start3A_110 = arith.constant 0 : i32
      %dma_start3A_111 = arith.constant 0 : i32
      %dma_start3A_112 = tpu.memref_slice %arg7[%rem3A_74, %dma_start3A_110, %dma_start3A_111] : memref<2x128x128xf32, #tpu.memory_space<vmem>> -> memref<1x128x128xf32, #tpu.memory_space<vmem>>
      %dma_start3A_113 = tpu.memref_squeeze %dma_start3A_112 : memref<1x128x128xf32, #tpu.memory_space<vmem>> -> memref<128x128xf32, #tpu.memory_space<vmem>>
      %dma_start3A_114 = arith.constant 0 : i32
      %dma_start3A_115 = tpu.memref_slice %arg6[%rem3A_74, %dma_start3A_114] : memref<2x128xi32, #tpu.memory_space<vmem>> -> memref<1x128xi32, #tpu.memory_space<vmem>>
      %dma_start3A_116 = tpu.memref_squeeze %dma_start3A_115 : memref<1x128xi32, #tpu.memory_space<vmem>> -> memref<128xi32, #tpu.memory_space<vmem>>
      %dma_start3A_117 = arith.constant 0 : i32
      %dma_start3A_118 = arith.constant 0 : i32
      %dma_start3A_119 = tpu.memref_slice %arg8[%dma_start3A_117, %dma_start3A_118] : memref<10000x128xf32, #tpu.memory_space<vmem_shared>> -> memref<10000x128xf32, #tpu.memory_space<vmem_shared>>
      tpu.enqueue_indirect_dma source(%dma_start3A_113 : memref<128x128xf32, #tpu.memory_space<vmem>>) target(%dma_start3A_119 : memref<10000x128xf32, #tpu.memory_space<vmem_shared>>) offsets(%dma_start3A_116 : memref<128xi32, #tpu.memory_space<vmem>>) semaphore(%arg11 : memref<!tpu.dma_semaphore, #tpu.memory_space<semaphore_mem>>) {add = true}
      %dma_wait3A_120 = arith.constant 0 : i32
      %dma_wait3A_121 = arith.constant 0 : i32
      %dma_wait3A_122 = tpu.memref_slice %arg7[%rem3A_74, %dma_wait3A_120, %dma_wait3A_121] : memref<2x128x128xf32, #tpu.memory_space<vmem>> -> memref<1x128x128xf32, #tpu.memory_space<vmem>>
      %dma_wait3A_123 = tpu.memref_squeeze %dma_wait3A_122 : memref<1x128x128xf32, #tpu.memory_space<vmem>> -> memref<128x128xf32, #tpu.memory_space<vmem>>
      %dma_wait3A_124 = arith.constant 0 : i32
      %dma_wait3A_125 = tpu.memref_slice %arg6[%rem3A_74, %dma_wait3A_124] : memref<2x128xi32, #tpu.memory_space<vmem>> -> memref<1x128xi32, #tpu.memory_space<vmem>>
      %dma_wait3A_126 = tpu.memref_squeeze %dma_wait3A_125 : memref<1x128xi32, #tpu.memory_space<vmem>> -> memref<128xi32, #tpu.memory_space<vmem>>
      %dma_wait3A_127 = arith.constant 0 : i32
      %dma_wait3A_128 = arith.constant 0 : i32
      %dma_wait3A_129 = tpu.memref_slice %arg8[%dma_wait3A_127, %dma_wait3A_128] : memref<10000x128xf32, #tpu.memory_space<vmem_shared>> -> memref<10000x128xf32, #tpu.memory_space<vmem_shared>>
      tpu.wait_indirect_dma semaphore(%arg11 : memref<!tpu.dma_semaphore, #tpu.memory_space<semaphore_mem>>) src(%dma_wait3A_123 : memref<128x128xf32, #tpu.memory_space<vmem>>) dst(%dma_wait3A_129 : memref<10000x128xf32, #tpu.memory_space<vmem_shared>>)
    }
    %barrier3A_45 = arith.constant 0 : index
    tpu.barrier barrier_id(%barrier3A_45)
    %lt3A_46 = arith.constant 1 : i32
    %lt3A_47 = arith.cmpi slt, %arg1, %lt3A_46 : i32
    %jit3A_48 = arith.constant 1 : i32
    %jit3A_49 = arith.constant 0 : i32
    %select_n3A_50 = arith.select %lt3A_47, %jit3A_48, %jit3A_49 : i32
    %add3A_51 = arith.constant 39 : i32
    %add3A_52 = arith.addi %add3A_51, %select_n3A_50 : i32
    %while3A_53 = arith.constant 0 : i32
    %while3A_54 = arith.constant 0 : i32
    %while3A_55 = arith.subi %add3A_52, %while3A_54 : i32
    %while3A_56 = arith.addi %while3A_54, %while3A_55 : i32
    %while3A_57 = arith.constant 1 : i32
    %while3A_58 = arith.divsi %while3A_55, %while3A_57 : i32
    %while3A_59 = arith.muli %while3A_58, %while3A_57 : i32
    %while3A_60 = arith.addi %while3A_54, %while3A_59 : i32
    %while3A_61 = arith.constant 1 : i32
    scf.for %while3A_73 = %while3A_54 to %while3A_60 step %while3A_61  : i32 {
      %mul3A_74 = arith.constant 16 : i32
      %mul3A_75 = arith.muli %mul3A_74, %while3A_73 : i32
      %add3A_76 = arith.addi %arg1, %mul3A_75 : i32
      %mul3A_77 = arith.constant 16 : i32
      %mul3A_78 = arith.muli %add3A_76, %mul3A_77 : i32
      %dma_start3A_79 = arith.constant 0 : i32
      %dma_start3A_80 = tpu.memref_slice %arg5[%arg0, %mul3A_78, %dma_start3A_79] : memref<2x10000x128xf32, #tpu.memory_space<hbm>> -> memref<1x16x128xf32, #tpu.memory_space<hbm>>
      %dma_start3A_81 = tpu.memref_squeeze %dma_start3A_80 : memref<1x16x128xf32, #tpu.memory_space<hbm>> -> memref<16x128xf32, #tpu.memory_space<hbm>>
      %dma_start3A_82 = arith.constant 0 : i32
      %dma_start3A_83 = tpu.memref_slice %arg8[%mul3A_78, %dma_start3A_82] : memref<10000x128xf32, #tpu.memory_space<vmem_shared>> -> memref<16x128xf32, #tpu.memory_space<vmem_shared>>
      tpu.enqueue_dma source(%dma_start3A_83 : memref<16x128xf32, #tpu.memory_space<vmem_shared>>) target(%dma_start3A_81 : memref<16x128xf32, #tpu.memory_space<hbm>>) target_semaphore(%arg10 : memref<!tpu.dma_semaphore, #tpu.memory_space<semaphore_mem>>)
    }
    %while3A_62 = arith.constant 1 : i32
    scf.for %while3A_73 = %while3A_60 to %while3A_56 step %while3A_62  : i32 {
      %mul3A_74 = arith.constant 16 : i32
      %mul3A_75 = arith.muli %mul3A_74, %while3A_73 : i32
      %add3A_76 = arith.addi %arg1, %mul3A_75 : i32
      %mul3A_77 = arith.constant 16 : i32
      %mul3A_78 = arith.muli %add3A_76, %mul3A_77 : i32
      %dma_start3A_79 = arith.constant 0 : i32
      %dma_start3A_80 = tpu.memref_slice %arg5[%arg0, %mul3A_78, %dma_start3A_79] : memref<2x10000x128xf32, #tpu.memory_space<hbm>> -> memref<1x16x128xf32, #tpu.memory_space<hbm>>
      %dma_start3A_81 = tpu.memref_squeeze %dma_start3A_80 : memref<1x16x128xf32, #tpu.memory_space<hbm>> -> memref<16x128xf32, #tpu.memory_space<hbm>>
      %dma_start3A_82 = arith.constant 0 : i32
      %dma_start3A_83 = tpu.memref_slice %arg8[%mul3A_78, %dma_start3A_82] : memref<10000x128xf32, #tpu.memory_space<vmem_shared>> -> memref<16x128xf32, #tpu.memory_space<vmem_shared>>
      tpu.enqueue_dma source(%dma_start3A_83 : memref<16x128xf32, #tpu.memory_space<vmem_shared>>) target(%dma_start3A_81 : memref<16x128xf32, #tpu.memory_space<hbm>>) target_semaphore(%arg10 : memref<!tpu.dma_semaphore, #tpu.memory_space<semaphore_mem>>)
    }
    %while3A_63 = arith.constant 0 : i32
    %while3A_64 = arith.constant 0 : i32
    %while3A_65 = arith.subi %add3A_52, %while3A_64 : i32
    %while3A_66 = arith.addi %while3A_64, %while3A_65 : i32
    %while3A_67 = arith.constant 1 : i32
    %while3A_68 = arith.divsi %while3A_65, %while3A_67 : i32
    %while3A_69 = arith.muli %while3A_68, %while3A_67 : i32
    %while3A_70 = arith.addi %while3A_64, %while3A_69 : i32
    %while3A_71 = arith.constant 1 : i32
    scf.for %while3A_73 = %while3A_64 to %while3A_70 step %while3A_71  : i32 {
      %mul3A_74 = arith.constant 16 : i32
      %mul3A_75 = arith.muli %mul3A_74, %while3A_73 : i32
      %add3A_76 = arith.addi %arg1, %mul3A_75 : i32
      %mul3A_77 = arith.constant 16 : i32
      %mul3A_78 = arith.muli %add3A_76, %mul3A_77 : i32
      %dma_wait3A = arith.constant 0 : i32
      %dma_wait3A_79 = tpu.memref_slice %arg5[%arg0, %mul3A_78, %dma_wait3A] : memref<2x10000x128xf32, #tpu.memory_space<hbm>> -> memref<1x16x128xf32, #tpu.memory_space<hbm>>
      %dma_wait3A_80 = tpu.memref_squeeze %dma_wait3A_79 : memref<1x16x128xf32, #tpu.memory_space<hbm>> -> memref<16x128xf32, #tpu.memory_space<hbm>>
      %dma_wait3A_81 = arith.constant 0 : i32
      %dma_wait3A_82 = tpu.memref_slice %arg8[%mul3A_78, %dma_wait3A_81] : memref<10000x128xf32, #tpu.memory_space<vmem_shared>> -> memref<16x128xf32, #tpu.memory_space<vmem_shared>>
      tpu.wait_dma2 semaphore(%arg10 : memref<!tpu.dma_semaphore, #tpu.memory_space<semaphore_mem>>) src(%dma_wait3A_82 : memref<16x128xf32, #tpu.memory_space<vmem_shared>>) dst(%dma_wait3A_80 : memref<16x128xf32, #tpu.memory_space<hbm>>)
    }
    %while3A_72 = arith.constant 1 : i32
    scf.for %while3A_73 = %while3A_70 to %while3A_66 step %while3A_72  : i32 {
      %mul3A_74 = arith.constant 16 : i32
      %mul3A_75 = arith.muli %mul3A_74, %while3A_73 : i32
      %add3A_76 = arith.addi %arg1, %mul3A_75 : i32
      %mul3A_77 = arith.constant 16 : i32
      %mul3A_78 = arith.muli %add3A_76, %mul3A_77 : i32
      %dma_wait3A = arith.constant 0 : i32
      %dma_wait3A_79 = tpu.memref_slice %arg5[%arg0, %mul3A_78, %dma_wait3A] : memref<2x10000x128xf32, #tpu.memory_space<hbm>> -> memref<1x16x128xf32, #tpu.memory_space<hbm>>
      %dma_wait3A_80 = tpu.memref_squeeze %dma_wait3A_79 : memref<1x16x128xf32, #tpu.memory_space<hbm>> -> memref<16x128xf32, #tpu.memory_space<hbm>>
      %dma_wait3A_81 = arith.constant 0 : i32
      %dma_wait3A_82 = tpu.memref_slice %arg8[%mul3A_78, %dma_wait3A_81] : memref<10000x128xf32, #tpu.memory_space<vmem_shared>> -> memref<16x128xf32, #tpu.memory_space<vmem_shared>>
      tpu.wait_dma2 semaphore(%arg10 : memref<!tpu.dma_semaphore, #tpu.memory_space<semaphore_mem>>) src(%dma_wait3A_82 : memref<16x128xf32, #tpu.memory_space<vmem_shared>>) dst(%dma_wait3A_80 : memref<16x128xf32, #tpu.memory_space<hbm>>)
    }
    return
  }
}

module attributes {stable_mosaic.version = 14 : i64} {
  func.func @_dense_body(%arg0: i32, %arg1: memref<1280x16xf32, #tpu.memory_space<vmem>>, %arg2: memref<1280x128xf32, #tpu.memory_space<vmem>>, %arg3: memref<1280x4xf32, #tpu.memory_space<vmem>>, %arg4: memref<16x2048xbf16, #tpu.memory_space<vmem>>, %arg5: memref<2048x4096xbf16, #tpu.memory_space<vmem>>, %arg6: memref<1024x32xbf16, #tpu.memory_space<vmem>>, %arg7: memref<96x96xbf16, #tpu.memory_space<vmem>>, %arg8: memref<96x96xbf16, #tpu.memory_space<vmem>>, %arg9: memref<1280x128xf32, #tpu.memory_space<vmem>>) attributes {dimension_semantics = [#tpu.dimension_semantics<arbitrary>], iteration_bounds = array<i64: 250>, scalar_prefetch = 0 : i64, scratch_operands = 0 : i64, tpu.core_type = #tpu.core_type<tc>, window_params = [{transform_indices = @transform_0, window_bounds = array<i64: 1280, 16>}, {transform_indices = @transform_1, window_bounds = array<i64: 1280, 128>}, {transform_indices = @transform_2, window_bounds = array<i64: 1280, 4>}, {pipeline_mode = #tpu.pipeline_mode<synchronous>, transform_indices = @transform_3, window_bounds = array<i64: 16, 2048>}, {pipeline_mode = #tpu.pipeline_mode<synchronous>, transform_indices = @transform_4, window_bounds = array<i64: 2048, 4096>}, {pipeline_mode = #tpu.pipeline_mode<synchronous>, transform_indices = @transform_5, window_bounds = array<i64: 1024, 32>}, {pipeline_mode = #tpu.pipeline_mode<synchronous>, transform_indices = @transform_6, window_bounds = array<i64: 96, 96>}, {pipeline_mode = #tpu.pipeline_mode<synchronous>, transform_indices = @transform_7, window_bounds = array<i64: 96, 96>}, {transform_indices = @transform_8, window_bounds = array<i64: 1280, 128>}]} {
    %get3A = arith.constant 0 : index
    %get3A_0 = arith.constant 0 : index
    %get3A_1 = vector.load %arg1[%get3A, %get3A_0] : memref<1280x16xf32, #tpu.memory_space<vmem>>, vector<1280x16xf32>
    %convert_element_type3A = arith.truncf %get3A_1 : vector<1280x16xf32> to vector<1280x16xbf16>
    %get3A_2 = arith.constant 0 : index
    %get3A_3 = arith.constant 0 : index
    %get3A_4 = vector.load %arg4[%get3A_2, %get3A_3] : memref<16x2048xbf16, #tpu.memory_space<vmem>>, vector<16x2048xbf16>
    %dot_general3A = arith.constant dense<0.000000e+00> : vector<1280x2048xf32>
    %dot_general3A_5 = tpu.matmul %convert_element_type3A, %get3A_4, %dot_general3A {dimension_numbers = #tpu.dot_dimension_numbers<[1], [0], [0], [1], [0, 0, 1, 1], [], []>, transpose_lhs_hint = false} : vector<1280x16xbf16>, vector<16x2048xbf16>, vector<1280x2048xf32> -> vector<1280x2048xf32>
    %max3A = arith.constant 0.000000e+00 : f32
    %max3A_6 = vector.broadcast %max3A : f32 to vector<1280x2048xf32>
    %max3A_7 = arith.maximumf %dot_general3A_5, %max3A_6 : vector<1280x2048xf32>
    %convert_element_type3A_8 = arith.truncf %max3A_7 : vector<1280x2048xf32> to vector<1280x2048xbf16>
    %get3A_9 = arith.constant 0 : index
    %get3A_10 = arith.constant 0 : index
    %get3A_11 = vector.load %arg2[%get3A_9, %get3A_10] : memref<1280x128xf32, #tpu.memory_space<vmem>>, vector<1280x128xf32>
    %get3A_12 = arith.constant 0 : index
    %get3A_13 = arith.constant 0 : index
    %get3A_14 = vector.load %arg3[%get3A_12, %get3A_13] : memref<1280x4xf32, #tpu.memory_space<vmem>>, vector<1280x4xf32>
    %slice3A = vector.extract_strided_slice %get3A_11 {offsets = [0, 0], sizes = [1280, 32], strides = [1, 1]} : vector<1280x128xf32> to vector<1280x32xf32>
    %slice3A_15 = vector.extract_strided_slice %get3A_11 {offsets = [0, 32], sizes = [1280, 96], strides = [1, 1]} : vector<1280x128xf32> to vector<1280x96xf32>
    %convert_element_type3A_16 = arith.truncf %slice3A_15 : vector<1280x96xf32> to vector<1280x96xbf16>
    %slice3A_17 = vector.extract_strided_slice %get3A_14 {offsets = [0, 0], sizes = [1280, 1], strides = [1, 1]} : vector<1280x4xf32> to vector<1280x1xf32>
    %get3A_18 = arith.constant 0 : index
    %get3A_19 = arith.constant 0 : index
    %get3A_20 = vector.load %arg6[%get3A_18, %get3A_19] : memref<1024x32xbf16, #tpu.memory_space<vmem>>, vector<1024x32xbf16>
    %get3A_21 = arith.constant 0 : index
    %get3A_22 = arith.constant 0 : index
    %get3A_23 = vector.load %arg7[%get3A_21, %get3A_22] : memref<96x96xbf16, #tpu.memory_space<vmem>>, vector<96x96xbf16>
    %dot_general3A_24 = arith.constant dense<0.000000e+00> : vector<1280x96xf32>
    %dot_general3A_25 = tpu.matmul %convert_element_type3A_16, %get3A_23, %dot_general3A_24 {dimension_numbers = #tpu.dot_dimension_numbers<[1], [0], [0], [1], [0, 0, 1, 1], [], []>, transpose_lhs_hint = false} : vector<1280x96xbf16>, vector<96x96xbf16>, vector<1280x96xf32> -> vector<1280x96xf32>
    %slice3A_26 = vector.extract_strided_slice %dot_general3A_25 {offsets = [0, 0], sizes = [1280, 32], strides = [1, 1]} : vector<1280x96xf32> to vector<1280x32xf32>
    %slice3A_27 = vector.extract_strided_slice %dot_general3A_25 {offsets = [0, 32], sizes = [1280, 32], strides = [1, 1]} : vector<1280x96xf32> to vector<1280x32xf32>
    %slice3A_28 = vector.extract_strided_slice %dot_general3A_25 {offsets = [0, 64], sizes = [1280, 32], strides = [1, 1]} : vector<1280x96xf32> to vector<1280x32xf32>
    %slice3A_29 = vector.extract_strided_slice %get3A_14 {offsets = [0, 1], sizes = [1280, 1], strides = [1, 1]} : vector<1280x4xf32> to vector<1280x1xf32>
    %mul3A = vector.broadcast %slice3A_29 : vector<1280x1xf32> to vector<1280x32xf32>
    %mul3A_30 = arith.mulf %slice3A_26, %mul3A : vector<1280x32xf32>
    %slice3A_31 = vector.extract_strided_slice %get3A_14 {offsets = [0, 2], sizes = [1280, 1], strides = [1, 1]} : vector<1280x4xf32> to vector<1280x1xf32>
    %mul3A_32 = vector.broadcast %slice3A_31 : vector<1280x1xf32> to vector<1280x32xf32>
    %mul3A_33 = arith.mulf %slice3A_27, %mul3A_32 : vector<1280x32xf32>
    %add3A = arith.addf %mul3A_30, %mul3A_33 : vector<1280x32xf32>
    %slice3A_34 = vector.extract_strided_slice %get3A_14 {offsets = [0, 3], sizes = [1280, 1], strides = [1, 1]} : vector<1280x4xf32> to vector<1280x1xf32>
    %mul3A_35 = vector.broadcast %slice3A_34 : vector<1280x1xf32> to vector<1280x32xf32>
    %mul3A_36 = arith.mulf %slice3A_28, %mul3A_35 : vector<1280x32xf32>
    %add3A_37 = arith.addf %add3A, %mul3A_36 : vector<1280x32xf32>
    %mul3A_38 = arith.constant 0.577350259 : f32
    %mul3A_39 = vector.broadcast %mul3A_38 : f32 to vector<1280x32xf32>
    %mul3A_40 = arith.mulf %add3A_37, %mul3A_39 : vector<1280x32xf32>
    %get3A_41 = arith.constant 0 : index
    %get3A_42 = arith.constant 0 : index
    %get3A_43 = vector.load %arg5[%get3A_41, %get3A_42] : memref<2048x4096xbf16, #tpu.memory_space<vmem>>, vector<2048x4096xbf16>
    %tile3A = tpu.concatenate %slice3A, %slice3A, %slice3A, %slice3A, %slice3A, %slice3A, %slice3A, %slice3A, %slice3A, %slice3A, %slice3A, %slice3A, %slice3A, %slice3A, %slice3A, %slice3A, %slice3A, %slice3A, %slice3A, %slice3A, %slice3A, %slice3A, %slice3A, %slice3A, %slice3A, %slice3A, %slice3A, %slice3A, %slice3A, %slice3A, %slice3A, %slice3A in 1 : vector<1280x32xf32>, vector<1280x32xf32>, vector<1280x32xf32>, vector<1280x32xf32>, vector<1280x32xf32>, vector<1280x32xf32>, vector<1280x32xf32>, vector<1280x32xf32>, vector<1280x32xf32>, vector<1280x32xf32>, vector<1280x32xf32>, vector<1280x32xf32>, vector<1280x32xf32>, vector<1280x32xf32>, vector<1280x32xf32>, vector<1280x32xf32>, vector<1280x32xf32>, vector<1280x32xf32>, vector<1280x32xf32>, vector<1280x32xf32>, vector<1280x32xf32>, vector<1280x32xf32>, vector<1280x32xf32>, vector<1280x32xf32>, vector<1280x32xf32>, vector<1280x32xf32>, vector<1280x32xf32>, vector<1280x32xf32>, vector<1280x32xf32>, vector<1280x32xf32>, vector<1280x32xf32>, vector<1280x32xf32> -> vector<1280x1024xf32>
    %slice3A_44 = vector.extract_strided_slice %get3A_43 {offsets = [0, 0], sizes = [2048, 1024], strides = [1, 1]} : vector<2048x4096xbf16> to vector<2048x1024xbf16>
    %dot_general3A_45 = arith.constant dense<0.000000e+00> : vector<1280x1024xf32>
    %dot_general3A_46 = tpu.matmul %convert_element_type3A_8, %slice3A_44, %dot_general3A_45 {dimension_numbers = #tpu.dot_dimension_numbers<[1], [0], [0], [1], [0, 0, 1, 1], [], []>, transpose_lhs_hint = false} : vector<1280x2048xbf16>, vector<2048x1024xbf16>, vector<1280x1024xf32> -> vector<1280x1024xf32>
    %mul3A_47 = arith.mulf %tile3A, %dot_general3A_46 : vector<1280x1024xf32>
    %convert_element_type3A_48 = arith.truncf %mul3A_47 : vector<1280x1024xf32> to vector<1280x1024xbf16>
    %dot_general3A_49 = arith.constant dense<0.000000e+00> : vector<1280x32xf32>
    %dot_general3A_50 = tpu.matmul %convert_element_type3A_48, %get3A_20, %dot_general3A_49 {dimension_numbers = #tpu.dot_dimension_numbers<[1], [0], [0], [1], [0, 0, 1, 1], [], []>, transpose_lhs_hint = false} : vector<1280x1024xbf16>, vector<1024x32xbf16>, vector<1280x32xf32> -> vector<1280x32xf32>
    %tile3A_51 = tpu.concatenate %mul3A_40, %mul3A_40, %mul3A_40, %mul3A_40, %mul3A_40, %mul3A_40, %mul3A_40, %mul3A_40, %mul3A_40, %mul3A_40, %mul3A_40, %mul3A_40, %mul3A_40, %mul3A_40, %mul3A_40, %mul3A_40, %mul3A_40, %mul3A_40, %mul3A_40, %mul3A_40, %mul3A_40, %mul3A_40, %mul3A_40, %mul3A_40, %mul3A_40, %mul3A_40, %mul3A_40, %mul3A_40, %mul3A_40, %mul3A_40, %mul3A_40, %mul3A_40 in 1 : vector<1280x32xf32>, vector<1280x32xf32>, vector<1280x32xf32>, vector<1280x32xf32>, vector<1280x32xf32>, vector<1280x32xf32>, vector<1280x32xf32>, vector<1280x32xf32>, vector<1280x32xf32>, vector<1280x32xf32>, vector<1280x32xf32>, vector<1280x32xf32>, vector<1280x32xf32>, vector<1280x32xf32>, vector<1280x32xf32>, vector<1280x32xf32>, vector<1280x32xf32>, vector<1280x32xf32>, vector<1280x32xf32>, vector<1280x32xf32>, vector<1280x32xf32>, vector<1280x32xf32>, vector<1280x32xf32>, vector<1280x32xf32>, vector<1280x32xf32>, vector<1280x32xf32>, vector<1280x32xf32>, vector<1280x32xf32>, vector<1280x32xf32>, vector<1280x32xf32>, vector<1280x32xf32>, vector<1280x32xf32> -> vector<1280x1024xf32>
    %slice3A_52 = vector.extract_strided_slice %get3A_43 {offsets = [0, 1024], sizes = [2048, 1024], strides = [1, 1]} : vector<2048x4096xbf16> to vector<2048x1024xbf16>
    %dot_general3A_53 = arith.constant dense<0.000000e+00> : vector<1280x1024xf32>
    %dot_general3A_54 = tpu.matmul %convert_element_type3A_8, %slice3A_52, %dot_general3A_53 {dimension_numbers = #tpu.dot_dimension_numbers<[1], [0], [0], [1], [0, 0, 1, 1], [], []>, transpose_lhs_hint = false} : vector<1280x2048xbf16>, vector<2048x1024xbf16>, vector<1280x1024xf32> -> vector<1280x1024xf32>
    %mul3A_55 = arith.mulf %tile3A_51, %dot_general3A_54 : vector<1280x1024xf32>
    %convert_element_type3A_56 = arith.truncf %mul3A_55 : vector<1280x1024xf32> to vector<1280x1024xbf16>
    %dot_general3A_57 = arith.constant dense<0.000000e+00> : vector<1280x32xf32>
    %dot_general3A_58 = tpu.matmul %convert_element_type3A_56, %get3A_20, %dot_general3A_57 {dimension_numbers = #tpu.dot_dimension_numbers<[1], [0], [0], [1], [0, 0, 1, 1], [], []>, transpose_lhs_hint = false} : vector<1280x1024xbf16>, vector<1024x32xbf16>, vector<1280x32xf32> -> vector<1280x32xf32>
    %slice3A_59 = vector.extract_strided_slice %get3A_43 {offsets = [0, 2048], sizes = [2048, 1024], strides = [1, 1]} : vector<2048x4096xbf16> to vector<2048x1024xbf16>
    %dot_general3A_60 = arith.constant dense<0.000000e+00> : vector<1280x1024xf32>
    %dot_general3A_61 = tpu.matmul %convert_element_type3A_8, %slice3A_59, %dot_general3A_60 {dimension_numbers = #tpu.dot_dimension_numbers<[1], [0], [0], [1], [0, 0, 1, 1], [], []>, transpose_lhs_hint = false} : vector<1280x2048xbf16>, vector<2048x1024xbf16>, vector<1280x1024xf32> -> vector<1280x1024xf32>
    %mul3A_62 = arith.mulf %tile3A, %dot_general3A_61 : vector<1280x1024xf32>
    %convert_element_type3A_63 = arith.truncf %mul3A_62 : vector<1280x1024xf32> to vector<1280x1024xbf16>
    %dot_general3A_64 = arith.constant dense<0.000000e+00> : vector<1280x32xf32>
    %dot_general3A_65 = tpu.matmul %convert_element_type3A_63, %get3A_20, %dot_general3A_64 {dimension_numbers = #tpu.dot_dimension_numbers<[1], [0], [0], [1], [0, 0, 1, 1], [], []>, transpose_lhs_hint = false} : vector<1280x1024xbf16>, vector<1024x32xbf16>, vector<1280x32xf32> -> vector<1280x32xf32>
    %slice3A_66 = vector.extract_strided_slice %get3A_43 {offsets = [0, 3072], sizes = [2048, 1024], strides = [1, 1]} : vector<2048x4096xbf16> to vector<2048x1024xbf16>
    %dot_general3A_67 = arith.constant dense<0.000000e+00> : vector<1280x1024xf32>
    %dot_general3A_68 = tpu.matmul %convert_element_type3A_8, %slice3A_66, %dot_general3A_67 {dimension_numbers = #tpu.dot_dimension_numbers<[1], [0], [0], [1], [0, 0, 1, 1], [], []>, transpose_lhs_hint = false} : vector<1280x2048xbf16>, vector<2048x1024xbf16>, vector<1280x1024xf32> -> vector<1280x1024xf32>
    %tile3A_69 = tpu.concatenate %slice3A_26, %slice3A_26, %slice3A_26, %slice3A_26, %slice3A_26, %slice3A_26, %slice3A_26, %slice3A_26, %slice3A_26, %slice3A_26, %slice3A_26, %slice3A_26, %slice3A_26, %slice3A_26, %slice3A_26, %slice3A_26, %slice3A_26, %slice3A_26, %slice3A_26, %slice3A_26, %slice3A_26, %slice3A_26, %slice3A_26, %slice3A_26, %slice3A_26, %slice3A_26, %slice3A_26, %slice3A_26, %slice3A_26, %slice3A_26, %slice3A_26, %slice3A_26 in 1 : vector<1280x32xf32>, vector<1280x32xf32>, vector<1280x32xf32>, vector<1280x32xf32>, vector<1280x32xf32>, vector<1280x32xf32>, vector<1280x32xf32>, vector<1280x32xf32>, vector<1280x32xf32>, vector<1280x32xf32>, vector<1280x32xf32>, vector<1280x32xf32>, vector<1280x32xf32>, vector<1280x32xf32>, vector<1280x32xf32>, vector<1280x32xf32>, vector<1280x32xf32>, vector<1280x32xf32>, vector<1280x32xf32>, vector<1280x32xf32>, vector<1280x32xf32>, vector<1280x32xf32>, vector<1280x32xf32>, vector<1280x32xf32>, vector<1280x32xf32>, vector<1280x32xf32>, vector<1280x32xf32>, vector<1280x32xf32>, vector<1280x32xf32>, vector<1280x32xf32>, vector<1280x32xf32>, vector<1280x32xf32> -> vector<1280x1024xf32>
    %mul3A_70 = arith.mulf %tile3A_69, %dot_general3A_68 : vector<1280x1024xf32>
    %convert_element_type3A_71 = arith.truncf %mul3A_70 : vector<1280x1024xf32> to vector<1280x1024xbf16>
    %dot_general3A_72 = arith.constant dense<0.000000e+00> : vector<1280x32xf32>
    %dot_general3A_73 = tpu.matmul %convert_element_type3A_71, %get3A_20, %dot_general3A_72 {dimension_numbers = #tpu.dot_dimension_numbers<[1], [0], [0], [1], [0, 0, 1, 1], [], []>, transpose_lhs_hint = false} : vector<1280x1024xbf16>, vector<1024x32xbf16>, vector<1280x32xf32> -> vector<1280x32xf32>
    %tile3A_74 = tpu.concatenate %slice3A_27, %slice3A_27, %slice3A_27, %slice3A_27, %slice3A_27, %slice3A_27, %slice3A_27, %slice3A_27, %slice3A_27, %slice3A_27, %slice3A_27, %slice3A_27, %slice3A_27, %slice3A_27, %slice3A_27, %slice3A_27, %slice3A_27, %slice3A_27, %slice3A_27, %slice3A_27, %slice3A_27, %slice3A_27, %slice3A_27, %slice3A_27, %slice3A_27, %slice3A_27, %slice3A_27, %slice3A_27, %slice3A_27, %slice3A_27, %slice3A_27, %slice3A_27 in 1 : vector<1280x32xf32>, vector<1280x32xf32>, vector<1280x32xf32>, vector<1280x32xf32>, vector<1280x32xf32>, vector<1280x32xf32>, vector<1280x32xf32>, vector<1280x32xf32>, vector<1280x32xf32>, vector<1280x32xf32>, vector<1280x32xf32>, vector<1280x32xf32>, vector<1280x32xf32>, vector<1280x32xf32>, vector<1280x32xf32>, vector<1280x32xf32>, vector<1280x32xf32>, vector<1280x32xf32>, vector<1280x32xf32>, vector<1280x32xf32>, vector<1280x32xf32>, vector<1280x32xf32>, vector<1280x32xf32>, vector<1280x32xf32>, vector<1280x32xf32>, vector<1280x32xf32>, vector<1280x32xf32>, vector<1280x32xf32>, vector<1280x32xf32>, vector<1280x32xf32>, vector<1280x32xf32>, vector<1280x32xf32> -> vector<1280x1024xf32>
    %mul3A_75 = arith.mulf %tile3A_74, %dot_general3A_68 : vector<1280x1024xf32>
    %convert_element_type3A_76 = arith.truncf %mul3A_75 : vector<1280x1024xf32> to vector<1280x1024xbf16>
    %dot_general3A_77 = arith.constant dense<0.000000e+00> : vector<1280x32xf32>
    %dot_general3A_78 = tpu.matmul %convert_element_type3A_76, %get3A_20, %dot_general3A_77 {dimension_numbers = #tpu.dot_dimension_numbers<[1], [0], [0], [1], [0, 0, 1, 1], [], []>, transpose_lhs_hint = false} : vector<1280x1024xbf16>, vector<1024x32xbf16>, vector<1280x32xf32> -> vector<1280x32xf32>
    %tile3A_79 = tpu.concatenate %slice3A_28, %slice3A_28, %slice3A_28, %slice3A_28, %slice3A_28, %slice3A_28, %slice3A_28, %slice3A_28, %slice3A_28, %slice3A_28, %slice3A_28, %slice3A_28, %slice3A_28, %slice3A_28, %slice3A_28, %slice3A_28, %slice3A_28, %slice3A_28, %slice3A_28, %slice3A_28, %slice3A_28, %slice3A_28, %slice3A_28, %slice3A_28, %slice3A_28, %slice3A_28, %slice3A_28, %slice3A_28, %slice3A_28, %slice3A_28, %slice3A_28, %slice3A_28 in 1 : vector<1280x32xf32>, vector<1280x32xf32>, vector<1280x32xf32>, vector<1280x32xf32>, vector<1280x32xf32>, vector<1280x32xf32>, vector<1280x32xf32>, vector<1280x32xf32>, vector<1280x32xf32>, vector<1280x32xf32>, vector<1280x32xf32>, vector<1280x32xf32>, vector<1280x32xf32>, vector<1280x32xf32>, vector<1280x32xf32>, vector<1280x32xf32>, vector<1280x32xf32>, vector<1280x32xf32>, vector<1280x32xf32>, vector<1280x32xf32>, vector<1280x32xf32>, vector<1280x32xf32>, vector<1280x32xf32>, vector<1280x32xf32>, vector<1280x32xf32>, vector<1280x32xf32>, vector<1280x32xf32>, vector<1280x32xf32>, vector<1280x32xf32>, vector<1280x32xf32>, vector<1280x32xf32>, vector<1280x32xf32> -> vector<1280x1024xf32>
    %mul3A_80 = arith.mulf %tile3A_79, %dot_general3A_68 : vector<1280x1024xf32>
    %convert_element_type3A_81 = arith.truncf %mul3A_80 : vector<1280x1024xf32> to vector<1280x1024xbf16>
    %dot_general3A_82 = arith.constant dense<0.000000e+00> : vector<1280x32xf32>
    %dot_general3A_83 = tpu.matmul %convert_element_type3A_81, %get3A_20, %dot_general3A_82 {dimension_numbers = #tpu.dot_dimension_numbers<[1], [0], [0], [1], [0, 0, 1, 1], [], []>, transpose_lhs_hint = false} : vector<1280x1024xbf16>, vector<1024x32xbf16>, vector<1280x32xf32> -> vector<1280x32xf32>
    %mul3A_84 = vector.broadcast %slice3A_17 : vector<1280x1xf32> to vector<1280x32xf32>
    %mul3A_85 = arith.mulf %dot_general3A_50, %mul3A_84 : vector<1280x32xf32>
    %add3A_86 = arith.addf %mul3A_85, %dot_general3A_58 : vector<1280x32xf32>
    %mul3A_87 = arith.constant 1.250000e-01 : f32
    %mul3A_88 = vector.broadcast %mul3A_87 : f32 to vector<1280x32xf32>
    %mul3A_89 = arith.mulf %mul3A_88, %add3A_86 : vector<1280x32xf32>
    %slice3A_90 = vector.extract_strided_slice %get3A_14 {offsets = [0, 1], sizes = [1280, 1], strides = [1, 1]} : vector<1280x4xf32> to vector<1280x1xf32>
    %mul3A_91 = vector.broadcast %slice3A_90 : vector<1280x1xf32> to vector<1280x32xf32>
    %mul3A_92 = arith.mulf %dot_general3A_65, %mul3A_91 : vector<1280x32xf32>
    %mul3A_93 = vector.broadcast %slice3A_17 : vector<1280x1xf32> to vector<1280x32xf32>
    %mul3A_94 = arith.mulf %dot_general3A_73, %mul3A_93 : vector<1280x32xf32>
    %add3A_95 = arith.addf %mul3A_92, %mul3A_94 : vector<1280x32xf32>
    %mul3A_96 = arith.constant 1.250000e-01 : f32
    %mul3A_97 = vector.broadcast %mul3A_96 : f32 to vector<1280x32xf32>
    %mul3A_98 = arith.mulf %mul3A_97, %add3A_95 : vector<1280x32xf32>
    %slice3A_99 = vector.extract_strided_slice %get3A_14 {offsets = [0, 2], sizes = [1280, 1], strides = [1, 1]} : vector<1280x4xf32> to vector<1280x1xf32>
    %mul3A_100 = vector.broadcast %slice3A_99 : vector<1280x1xf32> to vector<1280x32xf32>
    %mul3A_101 = arith.mulf %dot_general3A_65, %mul3A_100 : vector<1280x32xf32>
    %mul3A_102 = vector.broadcast %slice3A_17 : vector<1280x1xf32> to vector<1280x32xf32>
    %mul3A_103 = arith.mulf %dot_general3A_78, %mul3A_102 : vector<1280x32xf32>
    %add3A_104 = arith.addf %mul3A_101, %mul3A_103 : vector<1280x32xf32>
    %mul3A_105 = arith.constant 1.250000e-01 : f32
    %mul3A_106 = vector.broadcast %mul3A_105 : f32 to vector<1280x32xf32>
    %mul3A_107 = arith.mulf %mul3A_106, %add3A_104 : vector<1280x32xf32>
    %slice3A_108 = vector.extract_strided_slice %get3A_14 {offsets = [0, 3], sizes = [1280, 1], strides = [1, 1]} : vector<1280x4xf32> to vector<1280x1xf32>
    %mul3A_109 = vector.broadcast %slice3A_108 : vector<1280x1xf32> to vector<1280x32xf32>
    %mul3A_110 = arith.mulf %dot_general3A_65, %mul3A_109 : vector<1280x32xf32>
    %mul3A_111 = vector.broadcast %slice3A_17 : vector<1280x1xf32> to vector<1280x32xf32>
    %mul3A_112 = arith.mulf %dot_general3A_83, %mul3A_111 : vector<1280x32xf32>
    %add3A_113 = arith.addf %mul3A_110, %mul3A_112 : vector<1280x32xf32>
    %mul3A_114 = arith.constant 1.250000e-01 : f32
    %mul3A_115 = vector.broadcast %mul3A_114 : f32 to vector<1280x32xf32>
    %mul3A_116 = arith.mulf %mul3A_115, %add3A_113 : vector<1280x32xf32>
    %concatenate3A = tpu.concatenate %mul3A_98, %mul3A_107, %mul3A_116 in 1 : vector<1280x32xf32>, vector<1280x32xf32>, vector<1280x32xf32> -> vector<1280x96xf32>
    %convert_element_type3A_117 = arith.truncf %concatenate3A : vector<1280x96xf32> to vector<1280x96xbf16>
    %get3A_118 = arith.constant 0 : index
    %get3A_119 = arith.constant 0 : index
    %get3A_120 = vector.load %arg8[%get3A_118, %get3A_119] : memref<96x96xbf16, #tpu.memory_space<vmem>>, vector<96x96xbf16>
    %dot_general3A_121 = arith.constant dense<0.000000e+00> : vector<1280x96xf32>
    %dot_general3A_122 = tpu.matmul %convert_element_type3A_117, %get3A_120, %dot_general3A_121 {dimension_numbers = #tpu.dot_dimension_numbers<[1], [0], [0], [1], [0, 0, 1, 1], [], []>, transpose_lhs_hint = false} : vector<1280x96xbf16>, vector<96x96xbf16>, vector<1280x96xf32> -> vector<1280x96xf32>
    %swap3A = arith.constant 0 : index
    %swap3A_123 = arith.constant 0 : index
    %swap3A_124 = vector.load %arg9[%swap3A, %swap3A_123] : memref<1280x128xf32, #tpu.memory_space<vmem>>, vector<1280x32xf32>
    tpu.vector_store %arg9[%swap3A, %swap3A_123], %mul3A_89 {strides = array<i32>} : memref<1280x128xf32, #tpu.memory_space<vmem>>, vector<1280x32xf32>,
    %swap3A_125 = arith.constant 0 : index
    %swap3A_126 = arith.constant 32 : index
    %swap3A_127 = vector.load %arg9[%swap3A_125, %swap3A_126] : memref<1280x128xf32, #tpu.memory_space<vmem>>, vector<1280x96xf32>
    tpu.vector_store %arg9[%swap3A_125, %swap3A_126], %dot_general3A_122 {strides = array<i32>} : memref<1280x128xf32, #tpu.memory_space<vmem>>, vector<1280x96xf32>,
    return
  }
  func.func @transform_0(%arg0: i32) -> (i32, i32) {
    %c0_i32 = arith.constant 0 : i32
    %c0_i32_0 = arith.constant 0 : i32
    return %arg0, %c0_i32 : i32, i32
  }
  func.func @transform_1(%arg0: i32) -> (i32, i32) {
    %c0_i32 = arith.constant 0 : i32
    %c0_i32_0 = arith.constant 0 : i32
    return %arg0, %c0_i32 : i32, i32
  }
  func.func @transform_2(%arg0: i32) -> (i32, i32) {
    %c0_i32 = arith.constant 0 : i32
    %c0_i32_0 = arith.constant 0 : i32
    return %arg0, %c0_i32 : i32, i32
  }
  func.func @transform_3(%arg0: i32) -> (i32, i32) {
    %c0_i32 = arith.constant 0 : i32
    %c0_i32_0 = arith.constant 0 : i32
    %c0_i32_1 = arith.constant 0 : i32
    return %c0_i32, %c0_i32_0 : i32, i32
  }
  func.func @transform_4(%arg0: i32) -> (i32, i32) {
    %c0_i32 = arith.constant 0 : i32
    %c0_i32_0 = arith.constant 0 : i32
    %c0_i32_1 = arith.constant 0 : i32
    return %c0_i32, %c0_i32_0 : i32, i32
  }
  func.func @transform_5(%arg0: i32) -> (i32, i32) {
    %c0_i32 = arith.constant 0 : i32
    %c0_i32_0 = arith.constant 0 : i32
    %c0_i32_1 = arith.constant 0 : i32
    return %c0_i32, %c0_i32_0 : i32, i32
  }
  func.func @transform_6(%arg0: i32) -> (i32, i32) {
    %c0_i32 = arith.constant 0 : i32
    %c0_i32_0 = arith.constant 0 : i32
    %c0_i32_1 = arith.constant 0 : i32
    return %c0_i32, %c0_i32_0 : i32, i32
  }
  func.func @transform_7(%arg0: i32) -> (i32, i32) {
    %c0_i32 = arith.constant 0 : i32
    %c0_i32_0 = arith.constant 0 : i32
    %c0_i32_1 = arith.constant 0 : i32
    return %c0_i32, %c0_i32_0 : i32, i32
  }
  func.func @transform_8(%arg0: i32) -> (i32, i32) {
    %c0_i32 = arith.constant 0 : i32
    %c0_i32_0 = arith.constant 0 : i32
    return %arg0, %c0_i32 : i32, i32
  }
}

module attributes {stable_mosaic.version = 14 : i64} {
  func.func @_combine_body(%arg0: i32, %arg1: memref<2x1000x128xf32, #tpu.memory_space<vmem>>, %arg2: memref<1x1xf32, #tpu.memory_space<smem>>, %arg3: memref<1000x128xf32, #tpu.memory_space<vmem>>) attributes {dimension_semantics = [#tpu.dimension_semantics<arbitrary>], iteration_bounds = array<i64: 10>, scalar_prefetch = 0 : i64, scratch_operands = 0 : i64, tpu.core_type = #tpu.core_type<tc>, window_params = [{transform_indices = @transform_0, window_bounds = array<i64: 2, 1000, 128>}, {transform_indices = @transform_1, window_bounds = array<i64: 1, 1>}, {transform_indices = @transform_2, window_bounds = array<i64: 1000, 128>}]} {
    %get3A = arith.constant 0 : index
    %get3A_0 = arith.constant 0 : index
    %get3A_1 = arith.constant 0 : index
    %get3A_2 = vector.load %arg1[%get3A, %get3A_0, %get3A_1] : memref<2x1000x128xf32, #tpu.memory_space<vmem>>, vector<1x1000x128xf32>
    %get3A_3 = vector.shape_cast %get3A_2 : vector<1x1000x128xf32> to vector<1000x128xf32>
    %get3A_4 = arith.constant 1 : index
    %get3A_5 = arith.constant 0 : index
    %get3A_6 = arith.constant 0 : index
    %get3A_7 = vector.load %arg1[%get3A_4, %get3A_5, %get3A_6] : memref<2x1000x128xf32, #tpu.memory_space<vmem>>, vector<1x1000x128xf32>
    %get3A_8 = vector.shape_cast %get3A_7 : vector<1x1000x128xf32> to vector<1000x128xf32>
    %add3A = arith.addf %get3A_3, %get3A_8 : vector<1000x128xf32>
    %get3A_9 = arith.constant 0 : index
    %get3A_10 = arith.constant 0 : index
    %get3A_11 = memref.load %arg2[%get3A_9, %get3A_10] : memref<1x1xf32, #tpu.memory_space<smem>>
    %div3A = vector.broadcast %get3A_11 : f32 to vector<1000x128xf32>
    %div3A_12 = arith.divf %add3A, %div3A : vector<1000x128xf32>
    %swap3A = arith.constant 0 : index
    %swap3A_13 = arith.constant 0 : index
    %swap3A_14 = vector.load %arg3[%swap3A, %swap3A_13] : memref<1000x128xf32, #tpu.memory_space<vmem>>, vector<1000x128xf32>
    tpu.vector_store %arg3[%swap3A, %swap3A_13], %div3A_12 {strides = array<i32>} : memref<1000x128xf32, #tpu.memory_space<vmem>>, vector<1000x128xf32>,
    return
  }
  func.func @transform_0(%arg0: i32) -> (i32, i32, i32) {
    %c0_i32 = arith.constant 0 : i32
    %c0_i32_0 = arith.constant 0 : i32
    %c0_i32_1 = arith.constant 0 : i32
    return %c0_i32, %arg0, %c0_i32_0 : i32, i32, i32
  }
  func.func @transform_1(%arg0: i32) -> (i32, i32) {
    %c0_i32 = arith.constant 0 : i32
    %c0_i32_0 = arith.constant 0 : i32
    %c0_i32_1 = arith.constant 0 : i32
    return %c0_i32, %c0_i32_0 : i32, i32
  }
  func.func @transform_2(%arg0: i32) -> (i32, i32) {
    %c0_i32 = arith.constant 0 : i32
    %c0_i32_0 = arith.constant 0 : i32
    return %arg0, %c0_i32 : i32, i32
  }
}

</mosaic_0001>

<sc_bundles>
// kernel: kernel.6.cloned.1.call-start
scs
__scs_entry_jumppad:
0x0: {  	(pc) =	sbr.rel $0x88, $3  }
0x1: {  	(tag) =	ssettag $0x0;
	lr =	simm.s32 $0x1  }
0x2: {  	[smem:$0x3F99] =	sst lr;
	_ =	strace $0xD0000000  }
0x3: {  	_ = 	snop  }
0x4: {  	_ = 	snop  }
0x5: {  	_ = 	snop  }
0x6: {  	_ = 	snop  }
0x7: {  	_ = 	snop  }
__scs_overlays_trampoline_lowered:
0x8: {  	[smem:$0x3FA8] =	sst s0  }
0x9: {  	[smem:$0x3FA9] =	sst s1  }
0xa: {  	[smem:$0x3FAA] =	sst s2  }
0xb: {  	[smem:$0x3FAB] =	sst s3  }
0xc: {  	[smem:$0x3FAC] =	sst s4  }
0xd: {  	[smem:$0x3FAD] =	sst s5  }
0xe: {  	[smem:$0x3FAE] =	sst s6  }
0xf: {  	[smem:$0x3FAF] =	sst s7  }
0x10: {  	[smem:$0x3FB0] =	sst s8  }
0x11: {  	[smem:$0x3FB1] =	sst s9;
	s0 =	simm.s32 @!p0 $0x0  }
0x12: {  	s1 =	sld [smem:$0x3F97];
	s0 =	simm.s32 @p0 $0x1  }
0x13: {  	[smem:$0x3FB2] =	sst s0;
	s0 =	simm.s32 @!p1 $0x0  }
0x14: {  	s2 =	sld [smem:$0x3F96];
	s0 =	simm.s32 @p1 $0x1  }
0x15: {  	[smem:$0x3FB3] =	sst s0;
	s0 =	simm.s32 @!p2 $0x0  }
0x16: {  	s3 =	sld [smem:$0x3FDB];
	s0 =	simm.s32 @p2 $0x1  }
0x17: {  	s4 =	simm.s32 $0x1BF5;
	[smem:$0x3FB5] =	sst s0  }
0x18: {  	s0 =	sld [smem:$0x3F98];
	_ =	swait.ge [sflag:s4], $0x0  }
0x19: {  	s7 =	sld [smem:$0x3F99]  }
0x1a: {  	s8 =	sadd.s32 $0xFFFFE003, lr  }
0x1b: {  	s9 =	sadd.s32 $0xFFFFFEF7, lr;
	s5 =	simm.s32 $0xFFFFFFFF;
	p2 =	slt.u32 s8, $0xFFFFF086  }
0x1c: {  	p1 =	slt.u32 s9, $0xF7A;
	s5 =	simm.s32 @!p2 $0x0  }
0x1d: {  	s5 =	simm.s32 @p1 $0x1;
	p0 =	seq.s32 s7, s2  }
0x1e: {  	s7 =	smul.u32 @!p0 $0xF7A, s2;
	p2 =	seq.s32 @!p0 s5, $0x0  }
0x1f: {  	s9 =	smul.u32 $0xF7A, s1;
	s8 =	simm.s32 @!p0 $0x1BF5;
	p2 =	por !p2, p0  }
0x20: {  	[sflag:s8] =	ssyncset.s32 @!p0 $0xFFFFF086;
	s6 =	sadd.s32 @!p0 s3, s7;
	s7 =	simm.s32 @!p0 $0x108  }
0x21: {  	s3 =	sadd.s32 s3, s9;
	s6 =	sadd.s32 @!p0 $0x88, s6;
	s7 =	simm.s32 @p2 $0x1082  }
0x22: {  	[simem:s7], [sflag:s8] =	dma.local @!p0 [hbm:s6], $0xF7A  }
0x23: {  	s9 =	sor.u32 $0xD0000000, s2;
	s6 =	simm.s32 $0x108;
	_ =	swait.ge @!p0 [sflag:s8], $0x0  }
0x24: {  	s3 =	sadd.s32 $0x88, s3;
	s6 =	simm.s32 @!p1 $0x1082;
	[sflag:s4] =	ssyncset.s32 $0xFFFFF086  }
0x25: {  	[simem:s6], [sflag:s4] =	dma.local [hbm:s3], $0xF7A  }
0x26: {  	[smem:$0x3F99] =	sst s1;
	(tag) =	ssettag s2;
	_ =	strace s9  }
0x27: {  	s1 =	sld [smem:$0x3FA9]  }
0x28: {  	s2 =	sld [smem:$0x3FAA]  }
0x29: {  	s4 =	sld [smem:$0x3FAC]  }
0x2a: {  	p0 =	seq.s32 s5, $0x0;
	s5 =	sld [smem:$0x3FAD]  }
0x2b: {  	s6 =	sld [smem:$0x3FAE]  }
0x2c: {  	s7 =	sld [smem:$0x3FAF]  }
0x2d: {  	s3 =	simm.s32 $0x108;
	s8 =	sld [smem:$0x3FB0]  }
0x2e: {  	s3 =	simm.s32 @!p0 $0x1082;
	s9 =	sld [smem:$0x3FB1]  }
0x2f: {  	lr =	sadd.s32 s0, s3;
	s0 =	sld [smem:$0x3FA8]  }
0x30: {  	s3 =	sld [smem:$0x3FAB]  }
0x31: {  	[smem:$0x3FB4] =	sst s10  }
0x32: {  	s10 =	sld [smem:$0x3FB2];
	_ =	sdelay $0x3  }
0x33: {  	p0 =	seq.s32 s10, $0x1;
	s10 =	sld [smem:$0x3FB4];
	_ =	sdelay $0x3  }
0x34: {  	[smem:$0x3FB4] =	sst s10  }
0x35: {  	s10 =	sld [smem:$0x3FB3];
	_ =	sdelay $0x3  }
0x36: {  	p1 =	seq.s32 s10, $0x1;
	s10 =	sld [smem:$0x3FB4];
	_ =	sdelay $0x3  }
0x37: {  	[smem:$0x3FB4] =	sst s10  }
0x38: {  	s10 =	sld [smem:$0x3FB5]  }
0x39: {  	_ = 	snop;
	(pc) =	sbr.ind lr, $3  }
0x3a: {  	_ = 	snop  }
0x3b: {  	_ = 	snop  }
0x3c: {  	p2 =	seq.s32 s10, $0x1;
	s10 =	sld [smem:$0x3FB4]  }
0x3d: {  	_ =	shalt  }
0x3e: {  	_ =	shalt  }
0x3f: {  	_ =	shalt  }
0x40: {  	_ =	shalt  }
0x41: {  	_ =	shalt  }
0x42: {  	_ =	shalt  }
0x43: {  	_ =	shalt  }
0x44: {  	_ =	shalt  }
0x45: {  	_ =	shalt  }
0x46: {  	_ =	shalt  }
0x47: {  	_ =	shalt  }
0x48: {  	_ =	shalt  }
0x49: {  	_ =	shalt  }
0x4a: {  	_ =	shalt  }
0x4b: {  	_ =	shalt  }
0x4c: {  	_ =	shalt  }
0x4d: {  	_ =	shalt  }
0x4e: {  	_ =	shalt  }
0x4f: {  	_ =	shalt  }
0x50: {  	_ =	shalt  }
0x51: {  	_ =	shalt  }
0x52: {  	_ =	shalt  }
0x53: {  	_ =	shalt  }
0x54: {  	_ =	shalt  }
0x55: {  	_ =	shalt  }
0x56: {  	_ =	shalt  }
0x57: {  	_ =	shalt  }
0x58: {  	_ =	shalt  }
0x59: {  	_ =	shalt  }
0x5a: {  	_ =	shalt  }
0x5b: {  	_ =	shalt  }
0x5c: {  	_ =	shalt  }
0x5d: {  	_ =	shalt  }
0x5e: {  	_ =	shalt  }
0x5f: {  	_ =	shalt  }
0x60: {  	_ =	shalt  }
0x61: {  	_ =	shalt  }
0x62: {  	_ =	shalt  }
0x63: {  	_ =	shalt  }
0x64: {  	_ =	shalt  }
0x65: {  	_ =	shalt  }
0x66: {  	_ =	shalt  }
0x67: {  	_ =	shalt  }
0x68: {  	_ =	shalt  }
0x69: {  	_ =	shalt  }
0x6a: {  	_ =	shalt  }
0x6b: {  	_ =	shalt  }
0x6c: {  	_ =	shalt  }
0x6d: {  	_ =	shalt  }
0x6e: {  	_ =	shalt  }
0x6f: {  	_ =	shalt  }
0x70: {  	_ =	shalt  }
0x71: {  	_ =	shalt  }
0x72: {  	_ =	shalt  }
0x73: {  	_ =	shalt  }
0x74: {  	_ =	shalt  }
0x75: {  	_ =	shalt  }
0x76: {  	_ =	shalt  }
0x77: {  	_ =	shalt  }
0x78: {  	_ =	shalt  }
0x79: {  	_ =	shalt  }
0x7a: {  	_ =	shalt  }
0x7b: {  	_ =	shalt  }
0x7c: {  	_ =	shalt  }
0x7d: {  	_ =	shalt  }
0x7e: {  	_ =	shalt  }
0x7f: {  	_ =	shalt  }
0x80: {  	_ =	shalt  }
0x81: {  	_ =	shalt  }
0x82: {  	_ =	shalt  }
0x83: {  	_ =	shalt  }
0x84: {  	_ =	shalt  }
0x85: {  	_ =	shalt  }
0x86: {  	_ =	shalt  }
0x87: {  	_ =	shalt  }
.Lfunc_end0:
.L_simem_size_0:
called_computation_lowered:
.L_overlay_start_0:
0x88: {  	s2 =	sld [smem:$0x3FD9]  }
0x89: {  	s3 =	sld [smem:$0x3FFE];
	_ =	sdelay $0x1  }
0x8a: {  	s1 =	srdreg.scid  }
0x8b: {  	s0 =	sand.u32 $0x1, s1  }
0x8c: {  	s17 =	sshll.u32 s0, $0xA;
	s2 =	sadd.s32 s3, s2  }
0x8d: {  	s2 =	sadd.s32 s2, s17  }
0x8e: {  	[smem:$0x3FC0] =	sst s2  }
0x8f: {  	_ = 	snop  }
0x90: {  	s2 =	sld [smem:$0x3FC9]  }
0x91: {  	s18 =	sld [smem:$0x3FC6];
	(tm) =	ssettm $0x1  }
0x92: {  	s4 =	sld [smem:$0x3FFB];
	_ =	sdelay $0x3  }
0x93: {  	_ =	strace s4  }
0x94: {  	s4 =	sld [smem:$0x3FFC];
	_ =	sdelay $0x3  }
0x95: {  	_ =	strace s4  }
0x96: {  	s4 =	sld [smem:$0x3FFD];
	_ =	sdelay $0x3  }
0x97: {  	_ =	strace s4  }
0x98: {  	_ =	strace $0x8FFFFFFF  }
0x99: {  	s19 =	sld [smem:$0x3FDB];
	_ =	sdelay $0x1  }
0x9a: {  	s5 =	simm.s32 $_scs_section_size  }
0x9b: {  	s6 =	simm.s32 $_size__tile_overlayer_lowered;
	s7 =	simm.s32 $_tile_overlayer_lowered  }
0x9c: {  	s22 =	simm.s32 $0x1BFF;
	s21 =	sshll.u32 s7, $0x1;
	s4 =	sadd.s32 s5, s19  }
0x9d: {  	s8 =	simm.s32 $0x0;
	s20 =	sshll.u32 s6, $0x1;
	s6 =	sadd.s32 s21, s4  }
0x9e: {  	[timem:s8], [sflag:s22] =	dma.local [hbm:s6], s20  }
0x9f: {  	_ =	swait.ge [sflag:s22], s20  }
0xa0: {  	s5 =	ssub.s32 $0x0, s20;
	[sflag:s22] =	ssyncset.done $0x0  }
0xa1: {  	[sflag:s22] =	ssyncadd.s32 s5;
	_ =	sdelay $0x1  }
0xa2: {  	s23 =	simm.s32 $0x1B8B  }
0xa3: {  	_ =	swait.ge [sflag:s23], $0x1  }
0xa4: {  	[sflag:s23] =	ssyncset.done $0x0  }
0xa5: {  	s25 =	simm.s32 $0x1B8E;
	s24 =	sld [smem:$0x3FFE];
	[sflag:s23] =	ssyncadd.s32 $0xFFFFFFFF  }
0xa6: {  	s26 =	simm.s32 $execute0_lowered;
	[smem:$0x3FD2] =	sst s25  }
0xa7: {  	s6 =	sshll.u32 s26, $0x1;
	_ =	strace $0x80000046;
	[dreg:$0x1] =	wrdreg $0xFFFFFFFF  }
0xa8: {  	s28 =	simm.s32 $_size_execute0_lowered;
	s4 =	sadd.s32 s4, s6;
	[dreg:$0x0] =	wrdreg $0x0  }
0xa9: {  	s6 =	sshll.u32 s28, $0x1;
	[dreg:$0x2] =	wrdreg s4  }
0xaa: {  	[dreg:$0x3] =	wrdreg s6  }
0xab: {  	[dreg:$0x4] =	wrdreg $0xC0  }
0xac: {  	_ =	task [dreg:s8], $0x5FFFF  }
0xad: {  	[dreg:$0x1] =	wrdreg $0xFFFFFFFF  }
0xae: {  	[dreg:$0x0] =	wrdreg $0x60  }
0xaf: {  	[dreg:$0x2] =	wrdreg s2  }
0xb0: {  	[dreg:$0x3] =	wrdreg s18  }
0xb1: {  	[dreg:$0x4] =	wrdreg s24  }
0xb2: {  	[dreg:$0x5] =	wrdreg $0x9  }
0xb3: {  	_ =	task.clear_ibuf [dreg:s8], $0x6FFFF;
	_ =	strace $0x90000046  }
0xb4: {  	s29 =	simm.s32 $0x9;
	_ =	strace $0x80000048  }
0xb5: {  	_ =	swait.ge [sflag:s29], $0x1  }
0xb6: {  	[sflag:s29] =	ssyncadd.s32 $0xFFFFFFFF  }
0xb7: {  	_ =	strace $0x90000048  }
0xb8: {  	_ =	sfence  }
0xb9: {  	s30 =	sld [smem:$0x0];
	_ =	sdelay $0x2  }
0xba: {  	s31 =	sshll.u32 s1, $0xD;
	s1 =	sshrl.u32 s1, $0x2  }
0xbb: {  	s3 =	sand.u32 $0x4000, s31;
	s1 =	sadd.s32 s1, s30  }
0xbc: {  	s0 =	sor.u32 s3, s0;
	s1 =	sshll.u32 s1, $0x11  }
0xbd: {  	s0 =	sor.u32 s1, s0  }
0xbe: {  	s0 =	sadd.s32 $0x8F2B, s0  }
0xbf: {  	[sflag:s0] =	ssyncadd.remote.s32 $0x1  }
0xc0: {  	_ =	sfence.sel $0xFFFF  }
0xc1: {  	[dreg:$0x0] =	wrdreg $0xFFFFFFFF;
	(pc) =	sbr.abs _section_cstart, $3  }
0xc2: {  	[dreg:$0x1] =	wrdreg $0xFFFFFFFF  }
0xc3: {  	_ =	task.clear_ibuf [dreg:s8], $0x2FFFF;
	_ =	strace $0x9FFFFFFF  }
0xc4: {  	(tm) =	ssettm $0x7FFFFFFF  }
0xc5: {  	_ =	shalt  }
tec
execute0_lowered:
.L_overlay_start_1:
0x0: {  	(tag) =	ssettag $0x1  }
0x1: {  	s1 =	rddreg [dreg:$0x0]  }
0x2: {  	s13 =	rddreg [dreg:$0x1]  }
0x3: {  	s4 =	rddreg [dreg:$0x2];
	s3 =	simm.s32 $0x0;
	s5 =	srdreg.scid  }
0x4: {  	s2 =	stileid.u32;
	s18 =	simm.s32 $0x2;
	s19 =	simm.s32 $0x4100  }
0x5: {  	s20 =	simm.s32 $0x3;
	s21 =	simm.s32 $0x0;
	[smem:$0x7FF] =	sst s3  }
0x6: {  	s8 =	sand.u32 $0x1, s5;
	s6 =	sshll.u32 s2, $0x1;
	s14 =	sadd.s32 $0x1800, s4  }
0x7: {  	p0 =	slt.u32 s2, $0x2;
	s4 =	simm.s32 $0x4F;
	s10 =	sshll.u32 s2, $0x8  }
0x8: {  	s29 =	sshll.u32 s2, $0xF;
	_ =	strace $0x80000047;
	s5 =	ssub.s32 $0x2, s8  }
0x9: {  	s9 =	sor.u32 s8, s6;
	s4 =	simm.s32 @!p0 $0x4E;
	s11 =	sshll.u32 s8, $0x7  }
0xa: {  	s15 =	sshll.u32 s8, $0xE;
	s7 =	sshrl.u32 s5, $0x1;
	s6 =	sshll.u32 s9, $0x4  }
0xb: {  	s9 =	sshll.u32 s9, $0xB;
	s12 =	sor.u32 s11, s10;
	s15 =	sor.u32 s15, s29  }
0xc: {  	s7 =	ssub.s32 s5, s7;
	s5 =	sadd.s32 s13, s6;
	s10 =	sor.u32 $0x4000, s12  }
0xd: {  	s8 =	sadd.s32 s14, s9;
	s16 =	sor.u32 $0x180000, s15;
	s17 =	sor.u32 $0x3000, s12  }
0xe: {  	s15 =	sor.u32 $0x100000, s15;
	s6 =	smax.u32 s7, $0x1;
	s7 =	sadd.s32 $0x200, s5  }
0xf: {  	s10 =	sshrl.u32 s10, $0x3;
	s9 =	sadd.s32 $0x400, s5;
	s16 =	sshrl.u32 s16, $0x3  }
0x10: {  	s31 =	sshrl.u32 s17, $0x3;
	s15 =	sshrl.u32 s15, $0x3;
	s17 =	simm.s32 $0x100  }
0x11: {  	s30 =	sadd.s32 s10, s13;
	s10 =	sadd.s32 $0x10000, s8;
	s16 =	sadd.s32 s16, s14  }
0x12: {  	s13 =	sadd.s32 s31, s13;
	s14 =	sadd.s32 s15, s14;
	s15 =	simm.s32 $0x1  }
0x13: {  	s11 =	ssub.s32 $0x200, s30;
	s12 =	ssub.s32 $0x10000, s16;
	s16 =	simm.s32 $0x80  }
.LBB2_1:
0x14: {  	[tilespmem:s3], [sflag:$0x1] =	stream.linear.gather [hbm4b:s5+s3], $0x80, $0x38;
	[tilespmem:$0x8100] =	vst v63  }
0x15: {  	_ =	swait.ge [sflag:s15], $0x80  }
0x16: {  	[sflag:s15] =	ssyncset.done $0x0  }
0x17: {  	[sflag:s15] =	ssyncadd.s32 $0xFFFFFF80  }
0x18: {  	[tilespmem:s16], [sflag:$0x1] =	stream.linear.gather [hbm4b:s7+s3], $0x80, $0x38;
	[tilespmem:$0x8100] =	vst v63  }
0x19: {  	_ = 	snop  }
0x1a: {  	[tilespmem:s17], [sflag:$0x2] =	stream.indirect.gather [hbm4b:s1+s16], $0x80, s3, s16, $0xb8;
	[tilespmem:$0x8100] =	vst v63  }
0x1b: {  	_ =	swait.ge [sflag:s18], $0x4000  }
0x1c: {  	[sflag:s18] =	ssyncset.done $0x0  }
0x1d: {  	[sflag:s18] =	ssyncadd.s32 $0xFFFFC000  }
0x1e: {  	[hbm4b:s8+s3] =	stream.linear.scatter [tilespmem:s17], [sflag:$0x3], $0x4000, $0x38;
	[tilespmem:$0x8100] =	vst v63  }
0x1f: {  	_ =	swait.ge [sflag:s15], $0x80  }
0x20: {  	[sflag:s15] =	ssyncset.done $0x0  }
0x21: {  	[sflag:s15] =	ssyncadd.s32 $0xFFFFFF80  }
0x22: {  	[tilespmem:s3], [sflag:$0x1] =	stream.linear.gather [hbm4b:s9+s3], $0x80, $0x38;
	[tilespmem:$0x8100] =	vst v63  }
0x23: {  	p1 =	sne.s32 s4, $0x4  }
0x24: {  	[tilespmem:s19], [sflag:$0x2] =	stream.indirect.gather [hbm4b:s1+s16], $0x80, s16, s16, $0xb8;
	[tilespmem:$0x8100] =	vst v63  }
.Ltmp0:
0x25: {  	_ = 	snop;
	(pc) =	sbr.rel @!p1 .LBB2_2-.Ltmp0, $4  }
0x26: {  	_ =	swait.ge [sflag:s18], $0x4000  }
0x27: {  	s26 =	simm.s32 $0x2;
	[sflag:s18] =	ssyncset.done $0x0  }
0x28: {  	s22 =	simm.s32 $0x4;
	p0 =	por $0x0, $0x0;
	[sflag:s18] =	ssyncadd.s32 $0xFFFFC000  }
0x29: {  	[hbm4b:s10+s3] =	stream.linear.scatter [tilespmem:s19], [sflag:$0x3], $0x4000, $0x38;
	[tilespmem:$0x8100] =	vst v63  }
0x2a: {  	s23 =	sand.u32 $0x1, s26;
	_ =	swait.ge [sflag:s15], $0x80  }
0x2b: {  	[sflag:s15] =	ssyncset.done $0x0;
	s24 =	sshll.u32 s23, $0x7  }
0x2c: {  	[sflag:s15] =	ssyncadd.s32 $0xFFFFFF80;
	s25 =	sxor.u32 $0x80, s24  }
0x2d: {  	[tilespmem:s25], [sflag:$0x1] =	stream.linear.gather [hbm4b:s13+s3], $0x80, $0x38;
	[tilespmem:$0x8100] =	vst v63  }
0x2e: {  	s26 =	simm.s32 $0x3;
	s28 =	simm.s32 $0x5;
	_ =	swait.ge [sflag:s20], $0x4000  }
0x2f: {  	p1 =	sne.s32 s4, $0x5;
	s23 =	sshll.u32 s23, $0xE;
	[sflag:s20] =	ssyncset.done $0x0  }
.Ltmp1:
0x30: {  	s30 =	sor.u32 $0x100, s23;
	[sflag:s20] =	ssyncadd.s32 $0xFFFFC000;
	(pc) =	sbr.rel @!p1 .LBB2_4-.Ltmp1, $4  }
0x31: {  	[tilespmem:s30], [sflag:$0x2] =	stream.indirect.gather [hbm4b:s1+s16], $0x80, s24, s16, $0xb8;
	[tilespmem:$0x8100] =	vst v63  }
0x32: {  	s29 =	sadd.s32 $0xFFFFFE00, s11;
	p0 =	por $0x1, $0x1;
	_ =	swait.ge [sflag:s18], $0x4000  }
0x33: {  	s31 =	smov.u32 s14;
	s23 =	sadd.s32 $0xFFFF0000, s12;
	[sflag:s18] =	ssyncset.done $0x0  }
0x34: {  	s25 =	sadd.s32 $0x200, s13;
	s24 =	sadd.s32 $0x10000, s14;
	[sflag:s18] =	ssyncadd.s32 $0xFFFFC000  }
.LBB2_5:
0x35: {  	s22 =	smov.u32 s28  }
0x36: {  	[hbm4b:s31+s3] =	stream.linear.scatter [tilespmem:s30], [sflag:$0x3], $0x4000, $0x38;
	[tilespmem:$0x8100] =	vst v63  }
0x37: {  	s30 =	sand.u32 $0x1, s26;
	s26 =	sadd.s32 $0xFFFFFFFF, s28;
	_ =	swait.ge [sflag:s15], $0x80  }
0x38: {  	s0 =	sshll.u32 s30, $0x7;
	s30 =	sshll.u32 s30, $0xE;
	[sflag:s15] =	ssyncset.done $0x0  }
0x39: {  	s28 =	sadd.s32 $0x1, s28;
	s31 =	sxor.u32 $0x80, s0;
	[sflag:s15] =	ssyncadd.s32 $0xFFFFFF80  }
0x3a: {  	[tilespmem:s31], [sflag:$0x1] =	stream.linear.gather [hbm4b:s25+s3], $0x80, $0x38;
	[tilespmem:$0x8100] =	vst v63  }
0x3b: {  	p1 =	sne.s32 s4, s28;
	s31 =	smov.u32 s24;
	_ =	swait.ge [sflag:s20], $0x4000  }
0x3c: {  	[sflag:s20] =	ssyncset.done $0x0  }
.Ltmp2:
0x3d: {  	s30 =	sor.u32 $0x100, s30;
	[sflag:s20] =	ssyncadd.s32 $0xFFFFC000;
	(pc) =	sbr.rel @p1 .LBB2_5-.Ltmp2, $4  }
0x3e: {  	[tilespmem:s30], [sflag:$0x2] =	stream.indirect.gather [hbm4b:s1+s16], $0x80, s0, s16, $0xb8;
	[tilespmem:$0x8100] =	vst v63  }
0x3f: {  	_ =	swait.ge [sflag:s18], $0x4000  }
0x40: {  	s25 =	sadd.s32 $0x200, s25;
	s24 =	sadd.s32 $0x10000, s24;
	[sflag:s18] =	ssyncset.done $0x0  }
0x41: {  	s29 =	sadd.s32 $0xFFFFFE00, s29;
	s23 =	sadd.s32 $0xFFFF0000, s23;
	[sflag:s18] =	ssyncadd.s32 $0xFFFFC000  }
.LBB2_6:
0x42: {  	[hbm4b:s31+s3] =	stream.linear.scatter @p0 [tilespmem:s30], [sflag:$0x3], $0x4000, $0x38;
	[tilespmem:$0x8100] =	vst v63  }
0x43: {  	s0 =	sand.u32 $0x1, s26;
	_ =	swait.ge [sflag:s15], $0x80  }
0x44: {  	s26 =	sshll.u32 s0, $0x7;
	[sflag:s15] =	ssyncset.done $0x0  }
0x45: {  	s28 =	sxor.u32 $0x80, s26;
	[sflag:s15] =	ssyncadd.s32 $0xFFFFFF80  }
0x46: {  	[tilespmem:s28], [sflag:$0x1] =	stream.linear.gather [hbm4b:s25+s3], $0x80, $0x38;
	[tilespmem:$0x8100] =	vst v63  }
0x47: {  	_ =	swait.ge [sflag:s20], $0x4000  }
0x48: {  	s0 =	sshll.u32 s0, $0xE;
	[sflag:s20] =	ssyncset.done $0x0  }
0x49: {  	s0 =	sor.u32 $0x100, s0;
	[sflag:s20] =	ssyncadd.s32 $0xFFFFC000  }
0x4a: {  	[tilespmem:s0], [sflag:$0x2] =	stream.indirect.gather [hbm4b:s1+s16], $0x80, s26, s16, $0xb8;
	[tilespmem:$0x8100] =	vst v63  }
0x4b: {  	_ =	swait.ge [sflag:s18], $0x4000  }
0x4c: {  	[sflag:s18] =	ssyncset.done $0x0  }
0x4d: {  	[sflag:s18] =	ssyncadd.s32 $0xFFFFC000  }
0x4e: {  	[hbm4b:s24+s3] =	stream.linear.scatter [tilespmem:s0], [sflag:$0x3], $0x4000, $0x38;
	[tilespmem:$0x8100] =	vst v63  }
0x4f: {  	_ =	swait.ge [sflag:s15], $0x80  }
0x50: {  	[sflag:s15] =	ssyncset.done $0x0  }
0x51: {  	[sflag:s15] =	ssyncadd.s32 $0xFFFFFF80  }
0x52: {  	s30 =	sand.u32 $0x1, s22;
	_ =	swait.ge [sflag:s20], $0x4000  }
0x53: {  	s22 =	sshll.u32 s30, $0xE;
	[sflag:s20] =	ssyncset.done $0x0  }
0x54: {  	s22 =	sor.u32 $0x100, s22;
	s0 =	sshll.u32 s30, $0x7;
	[sflag:s20] =	ssyncadd.s32 $0xFFFFC000  }
0x55: {  	[tilespmem:s22], [sflag:$0x2] =	stream.indirect.gather [hbm4b:s1+s16], $0x80, s0, s16, $0xb8;
	[tilespmem:$0x8100] =	vst v63  }
0x56: {  	_ =	swait.ge [sflag:s18], $0x4000  }
0x57: {  	s31 =	sadd.s32 $0xFFFF0000, s23;
	[sflag:s18] =	ssyncset.done $0x0  }
0x58: {  	s21 =	sadd.s32 $0x1, s21;
	s0 =	ssub.s32 $0x0, s31;
	[sflag:s18] =	ssyncadd.s32 $0xFFFFC000  }
0x59: {  	[hbm4b:s0+s3] =	stream.linear.scatter [tilespmem:s22], [sflag:$0x3], $0x4000, $0x38;
	[tilespmem:$0x8100] =	vst v63  }
0x5a: {  	p0 =	sne.s32 s21, s6;
	_ =	swait.ge [sflag:s20], $0x4000  }
.Ltmp3:
0x5b: {  	[sflag:s20] =	ssyncset.done $0x0;
	(pc) =	sbr.rel @p0 .LBB2_1-.Ltmp3, $4  }
.Ltmp4:
0x5c: {  	[sflag:s20] =	ssyncadd.s32 $0xFFFFC000;
	(pc) =	sbr.rel @!p0 .LBB2_7-.Ltmp4, $4  }
0x5d: {  	_ =	swait.ge [sflag:s20], $0x4000  }
0x5e: {  	[sflag:s20] =	ssyncset.done $0x0  }
0x5f: {  	[sflag:s20] =	ssyncadd.s32 $0xFFFFC000  }
0x60: {  	_ = 	snop  }
.LBB2_2:
.Ltmp5:
0x61: {  	(pc) =	sbr.rel .LBB2_6-.Ltmp5, $3  }
0x62: {  	_ =	sdelay $0x1  }
0x63: {  	s22 =	simm.s32 $0x3  }
0x64: {  	s25 =	smov.u32 s13;
	s24 =	smov.u32 s14;
	s23 =	smov.u32 s12  }
.LBB2_4:
.Ltmp6:
0x65: {  	(pc) =	sbr.rel .LBB2_6-.Ltmp6, $2  }
0x66: {  	_ =	sdelay $0x2  }
0x67: {  	s31 =	smov.u32 s14;
	s26 =	simm.s32 $0x3  }
.LBB2_7:
0x68: {  	_ =	sfence.sel $0x180000  }
0x69: {  	[bflag:$0x0] =	sbarrier.arrive $0xFFFF  }
0x6a: {  	_ =	strace $0x90000047  }
0x6b: {  	[bflag:$0x2] =	sbarrier.arrive $0xFFFF  }
0x6c: {  	p0 =	sne.s32 s2, $0x0;
	s0 =	rddreg [dreg:$0x3]  }
0x6d: {  	s0 =	sadd.s32 @!p0 $0x100000, s0  }
0x6e: {  	[sflag:s0] =	ssyncadd.tile.s32 @!p0 $0x1;
	_ =	shalt  }
.Lfunc_end2:
_tile_overlayer_lowered:
.L_overlay_start_2:
0x6f: {  	(tag) =	ssettag $0x2  }
0x70: {  	s0 =	rddreg [dreg:$0x0];
	s2 =	stileid.u32  }
0x71: {  	s1 =	rddreg [dreg:$0x1];
	p0 =	sne.s32 s2, $0x0  }
0x72: {  	s3 =	rddreg [dreg:$0x2];
	[bflag:$0x3] =	sbarrier.arrive $0xFFFF;
	s2 =	simm.s32 @!p0 $0x1C04  }
0x73: {  	[timem:s3], [sflag:s2] =	dma.local @!p0 [hbm:s0], s1  }
0x74: {  	s0 =	simm.s32 @!p0 $0x4  }
0x75: {  	_ =	swait.ge @!p0 [sflag:s0], s1  }
0x76: {  	s1 =	ssub.s32 @!p0 $0x0, s1;
	[sflag:s0] =	ssyncset.done @!p0 $0x0  }
0x77: {  	[sflag:s0] =	ssyncadd.s32 @!p0 s1  }
0x78: {  	[bflag:$0x3] =	sbarrier.arrive $0xFFFF  }
0x79: {  	_ =	shalt  }

// kernel: kernel.9.cloned.1.call-start
scs
__scs_entry_jumppad:
0x0: {  	(pc) =	sbr.rel $0x88, $3  }
0x1: {  	(tag) =	ssettag $0x0;
	lr =	simm.s32 $0x1  }
0x2: {  	[smem:$0x3F99] =	sst lr;
	_ =	strace $0xD0000000  }
0x3: {  	_ = 	snop  }
0x4: {  	_ = 	snop  }
0x5: {  	_ = 	snop  }
0x6: {  	_ = 	snop  }
0x7: {  	_ = 	snop  }
__scs_overlays_trampoline_lowered:
0x8: {  	[smem:$0x3FA8] =	sst s0  }
0x9: {  	[smem:$0x3FA9] =	sst s1  }
0xa: {  	[smem:$0x3FAA] =	sst s2  }
0xb: {  	[smem:$0x3FAB] =	sst s3  }
0xc: {  	[smem:$0x3FAC] =	sst s4  }
0xd: {  	[smem:$0x3FAD] =	sst s5  }
0xe: {  	[smem:$0x3FAE] =	sst s6  }
0xf: {  	[smem:$0x3FAF] =	sst s7  }
0x10: {  	[smem:$0x3FB0] =	sst s8  }
0x11: {  	[smem:$0x3FB1] =	sst s9;
	s0 =	simm.s32 @!p0 $0x0  }
0x12: {  	s1 =	sld [smem:$0x3F97];
	s0 =	simm.s32 @p0 $0x1  }
0x13: {  	[smem:$0x3FB2] =	sst s0;
	s0 =	simm.s32 @!p1 $0x0  }
0x14: {  	s2 =	sld [smem:$0x3F96];
	s0 =	simm.s32 @p1 $0x1  }
0x15: {  	[smem:$0x3FB3] =	sst s0;
	s0 =	simm.s32 @!p2 $0x0  }
0x16: {  	s3 =	sld [smem:$0x3FDB];
	s0 =	simm.s32 @p2 $0x1  }
0x17: {  	s4 =	simm.s32 $0x1BF5;
	[smem:$0x3FB5] =	sst s0  }
0x18: {  	s0 =	sld [smem:$0x3F98];
	_ =	swait.ge [sflag:s4], $0x0  }
0x19: {  	s7 =	sld [smem:$0x3F99]  }
0x1a: {  	s8 =	sadd.s32 $0xFFFFE003, lr  }
0x1b: {  	s9 =	sadd.s32 $0xFFFFFEF7, lr;
	s5 =	simm.s32 $0xFFFFFFFF;
	p2 =	slt.u32 s8, $0xFFFFF086  }
0x1c: {  	p1 =	slt.u32 s9, $0xF7A;
	s5 =	simm.s32 @!p2 $0x0  }
0x1d: {  	s5 =	simm.s32 @p1 $0x1;
	p0 =	seq.s32 s7, s2  }
0x1e: {  	s7 =	smul.u32 @!p0 $0xF7A, s2;
	p2 =	seq.s32 @!p0 s5, $0x0  }
0x1f: {  	s9 =	smul.u32 $0xF7A, s1;
	s8 =	simm.s32 @!p0 $0x1BF5;
	p2 =	por !p2, p0  }
0x20: {  	[sflag:s8] =	ssyncset.s32 @!p0 $0xFFFFF086;
	s6 =	sadd.s32 @!p0 s3, s7;
	s7 =	simm.s32 @!p0 $0x108  }
0x21: {  	s3 =	sadd.s32 s3, s9;
	s6 =	sadd.s32 @!p0 $0x88, s6;
	s7 =	simm.s32 @p2 $0x1082  }
0x22: {  	[simem:s7], [sflag:s8] =	dma.local @!p0 [hbm:s6], $0xF7A  }
0x23: {  	s9 =	sor.u32 $0xD0000000, s2;
	s6 =	simm.s32 $0x108;
	_ =	swait.ge @!p0 [sflag:s8], $0x0  }
0x24: {  	s3 =	sadd.s32 $0x88, s3;
	s6 =	simm.s32 @!p1 $0x1082;
	[sflag:s4] =	ssyncset.s32 $0xFFFFF086  }
0x25: {  	[simem:s6], [sflag:s4] =	dma.local [hbm:s3], $0xF7A  }
0x26: {  	[smem:$0x3F99] =	sst s1;
	(tag) =	ssettag s2;
	_ =	strace s9  }
0x27: {  	s1 =	sld [smem:$0x3FA9]  }
0x28: {  	s2 =	sld [smem:$0x3FAA]  }
0x29: {  	s4 =	sld [smem:$0x3FAC]  }
0x2a: {  	p0 =	seq.s32 s5, $0x0;
	s5 =	sld [smem:$0x3FAD]  }
0x2b: {  	s6 =	sld [smem:$0x3FAE]  }
0x2c: {  	s7 =	sld [smem:$0x3FAF]  }
0x2d: {  	s3 =	simm.s32 $0x108;
	s8 =	sld [smem:$0x3FB0]  }
0x2e: {  	s3 =	simm.s32 @!p0 $0x1082;
	s9 =	sld [smem:$0x3FB1]  }
0x2f: {  	lr =	sadd.s32 s0, s3;
	s0 =	sld [smem:$0x3FA8]  }
0x30: {  	s3 =	sld [smem:$0x3FAB]  }
0x31: {  	[smem:$0x3FB4] =	sst s10  }
0x32: {  	s10 =	sld [smem:$0x3FB2];
	_ =	sdelay $0x3  }
0x33: {  	p0 =	seq.s32 s10, $0x1;
	s10 =	sld [smem:$0x3FB4];
	_ =	sdelay $0x3  }
0x34: {  	[smem:$0x3FB4] =	sst s10  }
0x35: {  	s10 =	sld [smem:$0x3FB3];
	_ =	sdelay $0x3  }
0x36: {  	p1 =	seq.s32 s10, $0x1;
	s10 =	sld [smem:$0x3FB4];
	_ =	sdelay $0x3  }
0x37: {  	[smem:$0x3FB4] =	sst s10  }
0x38: {  	s10 =	sld [smem:$0x3FB5]  }
0x39: {  	_ = 	snop;
	(pc) =	sbr.ind lr, $3  }
0x3a: {  	_ = 	snop  }
0x3b: {  	_ = 	snop  }
0x3c: {  	p2 =	seq.s32 s10, $0x1;
	s10 =	sld [smem:$0x3FB4]  }
0x3d: {  	_ =	shalt  }
0x3e: {  	_ =	shalt  }
0x3f: {  	_ =	shalt  }
0x40: {  	_ =	shalt  }
0x41: {  	_ =	shalt  }
0x42: {  	_ =	shalt  }
0x43: {  	_ =	shalt  }
0x44: {  	_ =	shalt  }
0x45: {  	_ =	shalt  }
0x46: {  	_ =	shalt  }
0x47: {  	_ =	shalt  }
0x48: {  	_ =	shalt  }
0x49: {  	_ =	shalt  }
0x4a: {  	_ =	shalt  }
0x4b: {  	_ =	shalt  }
0x4c: {  	_ =	shalt  }
0x4d: {  	_ =	shalt  }
0x4e: {  	_ =	shalt  }
0x4f: {  	_ =	shalt  }
0x50: {  	_ =	shalt  }
0x51: {  	_ =	shalt  }
0x52: {  	_ =	shalt  }
0x53: {  	_ =	shalt  }
0x54: {  	_ =	shalt  }
0x55: {  	_ =	shalt  }
0x56: {  	_ =	shalt  }
0x57: {  	_ =	shalt  }
0x58: {  	_ =	shalt  }
0x59: {  	_ =	shalt  }
0x5a: {  	_ =	shalt  }
0x5b: {  	_ =	shalt  }
0x5c: {  	_ =	shalt  }
0x5d: {  	_ =	shalt  }
0x5e: {  	_ =	shalt  }
0x5f: {  	_ =	shalt  }
0x60: {  	_ =	shalt  }
0x61: {  	_ =	shalt  }
0x62: {  	_ =	shalt  }
0x63: {  	_ =	shalt  }
0x64: {  	_ =	shalt  }
0x65: {  	_ =	shalt  }
0x66: {  	_ =	shalt  }
0x67: {  	_ =	shalt  }
0x68: {  	_ =	shalt  }
0x69: {  	_ =	shalt  }
0x6a: {  	_ =	shalt  }
0x6b: {  	_ =	shalt  }
0x6c: {  	_ =	shalt  }
0x6d: {  	_ =	shalt  }
0x6e: {  	_ =	shalt  }
0x6f: {  	_ =	shalt  }
0x70: {  	_ =	shalt  }
0x71: {  	_ =	shalt  }
0x72: {  	_ =	shalt  }
0x73: {  	_ =	shalt  }
0x74: {  	_ =	shalt  }
0x75: {  	_ =	shalt  }
0x76: {  	_ =	shalt  }
0x77: {  	_ =	shalt  }
0x78: {  	_ =	shalt  }
0x79: {  	_ =	shalt  }
0x7a: {  	_ =	shalt  }
0x7b: {  	_ =	shalt  }
0x7c: {  	_ =	shalt  }
0x7d: {  	_ =	shalt  }
0x7e: {  	_ =	shalt  }
0x7f: {  	_ =	shalt  }
0x80: {  	_ =	shalt  }
0x81: {  	_ =	shalt  }
0x82: {  	_ =	shalt  }
0x83: {  	_ =	shalt  }
0x84: {  	_ =	shalt  }
0x85: {  	_ =	shalt  }
0x86: {  	_ =	shalt  }
0x87: {  	_ =	shalt  }
.Lfunc_end0:
.L_simem_size_0:
called_computation.1_lowered:
.L_overlay_start_0:
0x88: {  	s2 =	sld [smem:$0x3FD9]  }
0x89: {  	s3 =	sld [smem:$0x3FFE];
	_ =	sdelay $0x1  }
0x8a: {  	s1 =	srdreg.scid  }
0x8b: {  	s0 =	sand.u32 $0x1, s1  }
0x8c: {  	s17 =	sshll.u32 s0, $0xA;
	s2 =	sadd.s32 s3, s2  }
0x8d: {  	s2 =	sadd.s32 s2, s17  }
0x8e: {  	[smem:$0x3FC0] =	sst s2  }
0x8f: {  	_ = 	snop  }
0x90: {  	s2 =	sld [smem:$0x3FC5]  }
0x91: {  	s18 =	sld [smem:$0x3FD0];
	(tm) =	ssettm $0x1  }
0x92: {  	s4 =	sld [smem:$0x3FFB];
	_ =	sdelay $0x3  }
0x93: {  	_ =	strace s4  }
0x94: {  	s4 =	sld [smem:$0x3FFC];
	_ =	sdelay $0x3  }
0x95: {  	_ =	strace s4  }
0x96: {  	s4 =	sld [smem:$0x3FFD];
	_ =	sdelay $0x3  }
0x97: {  	_ =	strace s4  }
0x98: {  	_ =	strace $0x8FFFFFFF  }
0x99: {  	s19 =	sld [smem:$0x3FDB];
	_ =	sdelay $0x1  }
0x9a: {  	s5 =	simm.s32 $_scs_section_size  }
0x9b: {  	s6 =	simm.s32 $_size__tile_overlayer_lowered;
	s7 =	simm.s32 $_tile_overlayer_lowered  }
0x9c: {  	s22 =	simm.s32 $0x1BFF;
	s21 =	sshll.u32 s7, $0x1;
	s4 =	sadd.s32 s5, s19  }
0x9d: {  	s8 =	simm.s32 $0x0;
	s20 =	sshll.u32 s6, $0x1;
	s6 =	sadd.s32 s21, s4  }
0x9e: {  	[timem:s8], [sflag:s22] =	dma.local [hbm:s6], s20  }
0x9f: {  	_ =	swait.ge [sflag:s22], s20  }
0xa0: {  	s5 =	ssub.s32 $0x0, s20;
	[sflag:s22] =	ssyncset.done $0x0  }
0xa1: {  	[sflag:s22] =	ssyncadd.s32 s5;
	_ =	sdelay $0x1  }
0xa2: {  	s23 =	simm.s32 $0x1B8B  }
0xa3: {  	_ =	swait.ge [sflag:s23], $0x1  }
0xa4: {  	[sflag:s23] =	ssyncset.done $0x0  }
0xa5: {  	s25 =	simm.s32 $0x1B8E;
	s24 =	sld [smem:$0x3FFE];
	[sflag:s23] =	ssyncadd.s32 $0xFFFFFFFF  }
0xa6: {  	s26 =	simm.s32 $execute0_lowered;
	[smem:$0x3FD2] =	sst s25  }
0xa7: {  	s6 =	sshll.u32 s26, $0x1;
	_ =	strace $0x80000049;
	[dreg:$0x1] =	wrdreg $0xFFFFFFFF  }
0xa8: {  	s28 =	simm.s32 $_size_execute0_lowered;
	s4 =	sadd.s32 s4, s6;
	[dreg:$0x0] =	wrdreg $0x0  }
0xa9: {  	s6 =	sshll.u32 s28, $0x1;
	[dreg:$0x2] =	wrdreg s4  }
0xaa: {  	[dreg:$0x3] =	wrdreg s6  }
0xab: {  	[dreg:$0x4] =	wrdreg $0xC0  }
0xac: {  	_ =	task [dreg:s8], $0x5FFFF  }
0xad: {  	[dreg:$0x1] =	wrdreg $0xFFFFFFFF  }
0xae: {  	[dreg:$0x0] =	wrdreg $0x60  }
0xaf: {  	[dreg:$0x2] =	wrdreg s24  }
0xb0: {  	[dreg:$0x3] =	wrdreg s2  }
0xb1: {  	[dreg:$0x4] =	wrdreg s18  }
0xb2: {  	[dreg:$0x5] =	wrdreg $0x81000  }
0xb3: {  	[dreg:$0x6] =	wrdreg $0x9  }
0xb4: {  	_ =	task.clear_ibuf [dreg:s8], $0x7FFFF;
	_ =	strace $0x90000049  }
0xb5: {  	s29 =	simm.s32 $0x9;
	_ =	strace $0x8000004B  }
0xb6: {  	_ =	swait.ge [sflag:s29], $0x1  }
0xb7: {  	[sflag:s29] =	ssyncadd.s32 $0xFFFFFFFF  }
0xb8: {  	_ =	strace $0x9000004B  }
0xb9: {  	_ =	sfence  }
0xba: {  	s30 =	sld [smem:$0x0];
	_ =	sdelay $0x2  }
0xbb: {  	s31 =	sshll.u32 s1, $0xD;
	s1 =	sshrl.u32 s1, $0x2  }
0xbc: {  	s3 =	sand.u32 $0x4000, s31;
	s1 =	sadd.s32 s1, s30  }
0xbd: {  	s0 =	sor.u32 s3, s0;
	s1 =	sshll.u32 s1, $0x11  }
0xbe: {  	s0 =	sor.u32 s1, s0  }
0xbf: {  	s0 =	sadd.s32 $0x8F2B, s0  }
0xc0: {  	[sflag:s0] =	ssyncadd.remote.s32 $0x1  }
0xc1: {  	_ =	sfence.sel $0xFFFF  }
0xc2: {  	[dreg:$0x0] =	wrdreg $0xFFFFFFFF;
	(pc) =	sbr.abs _section_cstart, $3  }
0xc3: {  	[dreg:$0x1] =	wrdreg $0xFFFFFFFF  }
0xc4: {  	_ =	task.clear_ibuf [dreg:s8], $0x2FFFF;
	_ =	strace $0x9FFFFFFF  }
0xc5: {  	(tm) =	ssettm $0x7FFFFFFF  }
tec
execute0_lowered:
.L_overlay_start_1:
0x0: {  	(tag) =	ssettag $0x1  }
0x1: {  	s6 =	rddreg [dreg:$0x0]  }
0x2: {  	s1 =	rddreg [dreg:$0x1]  }
0x3: {  	s2 =	rddreg [dreg:$0x2]  }
0x4: {  	s3 =	rddreg [dreg:$0x3]  }
0x5: {  	s0 =	rddreg [dreg:$0x4];
	s4 =	simm.s32 $0x0;
	s5 =	srdreg.scid  }
0x6: {  	s17 =	simm.s32 $0x1;
	s18 =	simm.s32 $0x2;
	s19 =	simm.s32 $0x80  }
0x7: {  	s20 =	simm.s32 $0x3;
	[smem:$0x7FF] =	sst s4;
	s11 =	sand.u32 $0x1, s5  }
0x8: {  	s5 =	stileid.u32;
	s12 =	sadd.s32 $0x4E3800, s6;
	s7 =	smul.u32 $0x138800, s11  }
0x9: {  	s21 =	simm.s32 $0x0;
	_ =	strace $0x8000004A;
	s14 =	sshll.u32 s5, $0xB  }
0xa: {  	s8 =	ssub.s32 $0x2, s11;
	s10 =	sshll.u32 s5, $0x1;
	p0 =	seq.s32 s5, $0x0  }
0xb: {  	p1 =	slt.u32 s5, $0x2;
	s15 =	sshll.u32 s5, $0xC;
	s30 =	sshll.u32 s11, $0xB  }
0xc: {  	s16 =	sshll.u32 s5, $0x8;
	s9 =	sshrl.u32 s8, $0x1;
	s26 =	sor.u32 s11, s10  }
0xd: {  	s10 =	simm.s32 $0x4E;
	s11 =	sshll.u32 s11, $0x7;
	s7 =	sadd.s32 s14, s7  }
0xe: {  	s9 =	ssub.s32 s8, s9;
	s28 =	sshll.u32 s26, $0x4;
	s29 =	sshll.u32 s26, $0xB  }
0xf: {  	s10 =	simm.s32 @!p1 $0x4D;
	s31 =	sor.u32 s11, s16;
	s14 =	sadd.s32 s14, s3  }
0x10: {  	s16 =	simm.s32 $0x100;
	s7 =	sshrl.u32 s7, $0x3;
	s8 =	sadd.s32 s12, s29  }
0x11: {  	s9 =	smax.u32 s9, $0x1;
	s12 =	sadd.s32 s15, s12;
	s13 =	sadd.s32 s7, s6  }
0x12: {  	s6 =	sadd.s32 s1, s28;
	s7 =	simm.s32 $0x28;
	s12 =	sadd.s32 s30, s12  }
0x13: {  	s7 =	simm.s32 @!p0 $0x27;
	s11 =	sadd.s32 $0x10000, s12;
	p0 =	sne.s32 s5, $0x0  }
0x14: {  	s12 =	sor.u32 $0x1000, s31;
	s13 =	sadd.s32 $0x1800, s13;
	s15 =	sshrl.u32 @!p0 s3, $0x3  }
.LBB2_1:
0x15: {  	s22 =	simm.s32 @!p0 $0x1C04  }
0x16: {  	[spmem:s15], [sflag:s22] =	dma.local @!p0 [hbm:s2], $0x27100  }
0x17: {  	s22 =	simm.s32 @!p0 $0x4  }
0x18: {  	_ =	swait.ge @!p0 [sflag:s22], $0x27100  }
0x19: {  	[sflag:s22] =	ssyncset.done @!p0 $0x0  }
0x1a: {  	[sflag:s22] =	ssyncadd.s32 @!p0 $0xFFFD8F00  }
0x1b: {  	[bflag:$0x0] =	sbarrier.arrive $0xFFFF  }
0x1c: {  	[tilespmem:s4], [sflag:$0x1] =	stream.linear.gather [hbm4b:s6+s4], $0x80, $0x38;
	[tilespmem:$0x1B980] =	vst v63  }
0x1d: {  	_ = 	snop  }
0x1e: {  	[tilespmem:s16], [sflag:$0x2] =	stream.linear.gather [hbm4b:s8+s4], $0x4000, $0x38;
	[tilespmem:$0x1B980] =	vst v63  }
0x1f: {  	_ =	swait.ge [sflag:s17], $0x80  }
0x20: {  	[sflag:s17] =	ssyncset.done $0x0  }
0x21: {  	[sflag:s17] =	ssyncadd.s32 $0xFFFFFF80  }
0x22: {  	s30 =	sand.u32 $0x1, s4;
	s23 =	sshrl.u32 s12, $0x3;
	_ =	swait.ge [sflag:s18], $0x4000  }
0x23: {  	s24 =	sxor.u32 $0x1, s30;
	s23 =	sadd.s32 s1, s23;
	[sflag:s18] =	ssyncset.done $0x0  }
0x24: {  	s25 =	sshll.u32 s24, $0x7;
	s24 =	sshll.u32 s24, $0xE;
	[sflag:s18] =	ssyncadd.s32 $0xFFFFC000  }
0x25: {  	[tilespmem:s25], [sflag:$0x1] =	stream.linear.gather [hbm4b:s23+s4], $0x80, $0x38;
	[tilespmem:$0x1B980] =	vst v63  }
0x26: {  	p1 =	sne.s32 s10, $0x1;
	s24 =	sor.u32 $0x100, s24  }
0x27: {  	[tilespmem:s24], [sflag:$0x2] =	stream.linear.gather [hbm4b:s11+s4], $0x4000, $0x38;
	[tilespmem:$0x1B980] =	vst v63  }
.Ltmp0:
0x28: {  	s31 =	sshll.u32 s30, $0xE;
	(pc) =	sbr.rel @!p1 .LBB2_3-.Ltmp0, $4  }
0x29: {  	s22 =	sshll.u32 s30, $0x7;
	s23 =	sor.u32 $0x100, s31  }
0x2a: {  	[spmem:s3] =	stream.indirect.scatter.add.f32 [tilespmem:s23], [sflag:$0x3], $0x80, s22, s19, $0xb8;
	[tilespmem:$0x1B980] =	vst v63  }
0x2b: {  	s24 =	smov.u32 s11;
	_ =	swait.ge [sflag:s20], $0x4000  }
0x2c: {  	s22 =	simm.s32 $0x1;
	s23 =	sadd.s32 $0x1000, s12;
	[sflag:s20] =	ssyncset.done $0x0  }
.LBB2_2:
0x2d: {  	[sflag:s20] =	ssyncadd.s32 $0xFFFFC000  }
0x2e: {  	s24 =	sadd.s32 $0x10000, s24;
	s25 =	smov.u32 s22;
	s22 =	sadd.s32 $0x1, s22  }
0x2f: {  	p1 =	sne.s32 s10, s22  }
0x30: {  	_ =	swait.ge [sflag:s17], $0x80  }
0x31: {  	[sflag:s17] =	ssyncset.done $0x0  }
0x32: {  	[sflag:s17] =	ssyncadd.s32 $0xFFFFFF80  }
0x33: {  	s26 =	sshrl.u32 s23, $0x3;
	s25 =	sand.u32 $0x1, s25;
	_ =	swait.ge [sflag:s18], $0x4000  }
0x34: {  	s26 =	sadd.s32 s1, s26;
	s28 =	sxor.u32 $0x1, s25;
	[sflag:s18] =	ssyncset.done $0x0  }
0x35: {  	s29 =	sshll.u32 s28, $0x7;
	s28 =	sshll.u32 s28, $0xE;
	[sflag:s18] =	ssyncadd.s32 $0xFFFFC000  }
0x36: {  	[tilespmem:s29], [sflag:$0x1] =	stream.linear.gather [hbm4b:s26+s4], $0x80, $0x38;
	[tilespmem:$0x1B980] =	vst v63  }
0x37: {  	s28 =	sor.u32 $0x100, s28;
	s26 =	sshll.u32 s25, $0xE  }
0x38: {  	[tilespmem:s28], [sflag:$0x2] =	stream.linear.gather [hbm4b:s24+s4], $0x4000, $0x38;
	[tilespmem:$0x1B980] =	vst v63  }
.Ltmp1:
0x39: {  	_ = 	snop;
	(pc) =	sbr.rel @p1 .LBB2_2-.Ltmp1, $4  }
0x3a: {  	s25 =	sshll.u32 s25, $0x7;
	s26 =	sor.u32 $0x100, s26  }
0x3b: {  	[spmem:s3] =	stream.indirect.scatter.add.f32 [tilespmem:s26], [sflag:$0x3], $0x80, s25, s19, $0xb8;
	[tilespmem:$0x1B980] =	vst v63  }
0x3c: {  	_ =	swait.ge [sflag:s20], $0x4000  }
0x3d: {  	s23 =	sadd.s32 $0x1000, s23;
	[sflag:s20] =	ssyncset.done $0x0  }
.LBB2_3:
0x3e: {  	[sflag:s20] =	ssyncadd.s32 $0xFFFFC000  }
0x3f: {  	_ =	swait.ge [sflag:s17], $0x80  }
0x40: {  	[sflag:s17] =	ssyncset.done $0x0  }
0x41: {  	[sflag:s17] =	ssyncadd.s32 $0xFFFFFF80  }
0x42: {  	s22 =	sand.u32 $0x1, s22;
	_ =	swait.ge [sflag:s18], $0x4000  }
0x43: {  	p1 =	sne.s32 s7, $0x1;
	s23 =	sshll.u32 s22, $0xE;
	[sflag:s18] =	ssyncset.done $0x0  }
0x44: {  	s22 =	sshll.u32 s22, $0x7;
	s23 =	sor.u32 $0x100, s23;
	[sflag:s18] =	ssyncadd.s32 $0xFFFFC000  }
0x45: {  	[spmem:s3] =	stream.indirect.scatter.add.f32 [tilespmem:s23], [sflag:$0x3], $0x80, s22, s19, $0xb8;
	[tilespmem:$0x1B980] =	vst v63  }
.Ltmp2:
0x46: {  	_ =	swait.ge [sflag:s20], $0x4000;
	(pc) =	sbr.rel @!p1 .LBB2_5-.Ltmp2, $4  }
0x47: {  	s30 =	sshll.u32 s5, $0x6;
	s31 =	sshrl.u32 s14, $0x3;
	[sflag:s20] =	ssyncset.done $0x0  }
0x48: {  	s24 =	sadd.s32 $0x8000, s14;
	s25 =	smov.u32 s13;
	[sflag:s20] =	ssyncadd.s32 $0xFFFFC000  }
0x49: {  	s22 =	sor.u32 $0x1C02, s30;
	s23 =	sadd.s32 $0xFFFFFFFF, s7;
	[bflag:$0x0] =	sbarrier.arrive $0xFFFF  }
0x4a: {  	[hbm:s13], [sflag:s22] =	dma.local [spmem:s31], $0x100  }
.LBB2_4:
0x4b: {  	p2 =	sne.s32 s23, $0x1;
	s23 =	sadd.s32 $0xFFFFFFFF, s23  }
.Ltmp3:
0x4c: {  	s26 =	sshrl.u32 s24, $0x3;
	s25 =	sadd.s32 $0x1000, s25;
	(pc) =	sbr.rel @p2 .LBB2_4-.Ltmp3, $3  }
0x4d: {  	[hbm:s25], [sflag:s22] =	dma.local [spmem:s26], $0x100  }
0x4e: {  	_ =	sdelay $0x1  }
0x4f: {  	s24 =	sadd.s32 $0x8000, s24  }
.LBB2_5:
.Ltmp4:
0x50: {  	(pc) =	sbr.rel @!p1 .LBB2_7-.Ltmp4, $3  }
0x51: {  	_ =	sdelay $0x1  }
0x52: {  	_ =	swait.ge [sflag:s18], $0x100  }
0x53: {  	s22 =	sadd.s32 $0xFFFFFFFF, s7;
	[sflag:s18] =	ssyncset.done $0x0  }
.LBB2_6:
0x54: {  	p1 =	sne.s32 s22, $0x1;
	s22 =	sadd.s32 $0xFFFFFFFF, s22;
	[sflag:s18] =	ssyncadd.s32 $0xFFFFFF00  }
.Ltmp5:
0x55: {  	(pc) =	sbr.rel @p1 .LBB2_6-.Ltmp5, $3  }
0x56: {  	_ =	sdelay $0x1  }
0x57: {  	_ =	swait.ge [sflag:s18], $0x100  }
0x58: {  	[sflag:s18] =	ssyncset.done $0x0  }
.LBB2_7:
0x59: {  	s21 =	sadd.s32 $0x1, s21  }
0x5a: {  	p1 =	sne.s32 s21, s9  }
.Ltmp6:
0x5b: {  	_ = 	snop;
	(pc) =	sbr.rel @p1 .LBB2_1-.Ltmp6, $2  }
0x5c: {  	_ =	sdelay $0x2  }
0x5d: {  	[sflag:s18] =	ssyncadd.s32 $0xFFFFFF00  }
0x5e: {  	_ =	sfence.sel $0x180000  }
0x5f: {  	[bflag:$0x0] =	sbarrier.arrive $0xFFFF  }
0x60: {  	_ =	strace $0x9000004A  }
0x61: {  	s0 =	sadd.s32 @!p0 $0x100000, s0;
	[bflag:$0x2] =	sbarrier.arrive $0xFFFF  }
0x62: {  	[sflag:s0] =	ssyncadd.tile.s32 @!p0 $0x1;
	_ =	shalt  }
.Lfunc_end2:
_tile_overlayer_lowered:
.L_overlay_start_2:
0x63: {  	(tag) =	ssettag $0x2  }
0x64: {  	s0 =	rddreg [dreg:$0x0];
	s2 =	stileid.u32  }
0x65: {  	s1 =	rddreg [dreg:$0x1];
	p0 =	sne.s32 s2, $0x0  }
0x66: {  	s3 =	rddreg [dreg:$0x2];
	[bflag:$0x3] =	sbarrier.arrive $0xFFFF;
	s2 =	simm.s32 @!p0 $0x1C04  }
0x67: {  	[timem:s3], [sflag:s2] =	dma.local @!p0 [hbm:s0], s1  }
0x68: {  	s0 =	simm.s32 @!p0 $0x4  }
0x69: {  	_ =	swait.ge @!p0 [sflag:s0], s1  }
0x6a: {  	s1 =	ssub.s32 @!p0 $0x0, s1;
	[sflag:s0] =	ssyncset.done @!p0 $0x0  }
0x6b: {  	[sflag:s0] =	ssyncadd.s32 @!p0 s1  }
0x6c: {  	[bflag:$0x3] =	sbarrier.arrive $0xFFFF  }
0x6d: {  	_ =	shalt  }

</sc_bundles>
